<compile_context>
chip_gen: v7x
topology: tpu7x:2x2x1
jax: 0.10.2.dev20260603
libtpu: 0.0.44.dev20260713+nightly
codegen_flags: <defaults>
</compile_context>

<pallas_src>
import functools

import jax
import jax.numpy as jnp
from jax import lax
from jax.experimental import pallas as pl
from jax.experimental.pallas import tpu as pltpu
from jax.experimental.pallas import tpu_sc as plsc

_B = 64
_K1 = 4097
_D = 128
_N = 100000
_T = 0.07
_KP = 4112
_NPACK_H = 64
_NTILES = 32
_TASKS_PER_TILE = _NPACK_H // _NTILES
_CHUNK = 8192
_NBLK = 13
_NP = _NBLK * _CHUNK


def _packed(lhs, rhs):
    dn = (((1,), (1,)), ((), ()))
    prod = lax.dot_general(lhs, rhs, dn, preferred_element_type=jnp.float32)
    return pltpu.bitcast(prod.astype(jnp.bfloat16), jnp.int32)


def _tc_body(v_ref, m_ref, out_ref):
    nrow = out_ref.shape[0]
    out_ref[...] = _packed(v_ref[...], m_ref[...]).reshape(
        nrow, _CHUNK // 128, 128)


def _tc_call(v, bank):
    npack = v.shape[0] // 2
    full = lambda shape: pl.BlockSpec(shape, lambda i: (0, 0))
    chunk = pl.BlockSpec((_CHUNK, _D), lambda i: (i, 0))
    return pl.pallas_call(
        _tc_body,
        grid=(_NBLK,),
        in_specs=[full(v.shape), chunk],
        out_specs=pl.BlockSpec((npack, _CHUNK // 128, 128),
                               lambda i: (0, i, 0)),
        out_shape=jax.ShapeDtypeStruct((npack, _NP // 128, 128), jnp.int32),
    )(v, bank)


_sc_mesh = plsc.VectorSubcoreMesh(core_axis_name="c", subcore_axis_name="s")


def _make_sc_gather(npack):
    tasks_per_tile = -(-npack // _NTILES)

    @functools.partial(
        pl.kernel,
        out_type=jax.ShapeDtypeStruct((2 * npack * _KP,), jnp.float32),
        mesh=_sc_mesh,
        compiler_params=pltpu.CompilerParams(needs_layout_passes=False),
        scratch_types=[
            pltpu.VMEM((_NP,), jnp.int32),
            pltpu.VMEM((_KP,), jnp.int32),
            pltpu.VMEM((_KP,), jnp.int32),
            pltpu.VMEM((_KP,), jnp.float32),
            pltpu.VMEM((_KP,), jnp.float32),
            pltpu.SemaphoreType.DMA,
        ],
    )
    def _sc_gather(p_hbm, idx_hbm, out_hbm, prow_v, idx0_v, idx1_v,
                   out0_v, out1_v, sem):
        wid = lax.axis_index("s") * 2 + lax.axis_index("c")
        inv_t = jnp.float32(1.0 / _T)
        hi_mask = jnp.int32(-65536)

        def task(t, carry):
            m = wid * tasks_per_tile + t
            r0 = 2 * m
            b0 = lax.rem(r0, _B)
            b1 = lax.rem(r0 + 1, _B)
            cp_p = pltpu.async_copy(
                p_hbm.at[pl.ds(pl.multiple_of(m * _NP, 8), _NP)], prow_v, sem)
            cp_i0 = pltpu.async_copy(
                idx_hbm.at[pl.ds(pl.multiple_of(b0 * _KP, 8), _KP)], idx0_v,
                sem)
            cp_i1 = pltpu.async_copy(
                idx_hbm.at[pl.ds(pl.multiple_of(b1 * _KP, 8), _KP)], idx1_v,
                sem)
            cp_i0.wait()
            cp_i1.wait()
            cp_p.wait()

            def col(i, c):
                sl = pl.ds(i * 16, 16)
                w0 = plsc.load_gather(prow_v, [idx0_v[sl]])
                out0_v[sl] = plsc.bitcast(
                    lax.shift_left(w0, 16), jnp.float32) * inv_t
                w1 = plsc.load_gather(prow_v, [idx1_v[sl]])
                out1_v[sl] = plsc.bitcast(
                    lax.bitwise_and(w1, hi_mask), jnp.float32) * inv_t
                return c

            lax.fori_loop(0, _KP // 16, col, 0)
            pltpu.sync_copy(
                out0_v, out_hbm.at[pl.ds(pl.multiple_of(r0 * _KP, 8), _KP)])
            pltpu.sync_copy(
                out1_v,
                out_hbm.at[pl.ds(pl.multiple_of((r0 + 1) * _KP, 8), _KP)])
            return carry

        lax.fori_loop(0, tasks_per_tile, task, 0)

    return _sc_gather


_sc_gather64 = _make_sc_gather(64)
_sc_gather32 = _make_sc_gather(32)


def kernel(v1, v2, v3, y, idx, memory_v1, memory_v2, memory_v3):
    del y
    v12 = jnp.concatenate([v1, v2], axis=0)
    pa = _tc_call(v12, memory_v3)
    pb1 = _tc_call(v3, memory_v1)
    pb2 = _tc_call(v3, memory_v2)
    idx_p = jnp.pad(idx, ((0, 0), (0, _KP - _K1))).reshape(-1)
    fa = _sc_gather64(pa.reshape(-1), idx_p)
    fb1 = _sc_gather32(pb1.reshape(-1), idx_p)
    fb2 = _sc_gather32(pb2.reshape(-1), idx_p)
    oa = fa.reshape(2, _B, _KP)[:, :, :_K1, None]
    return (oa[0], oa[1],
            fb1.reshape(_B, _KP)[:, :_K1, None],
            fb2.reshape(_B, _KP)[:, :_K1, None])

# --- scband reference (transcript-rebuilt; emitter-appended) ---
"""Pipeline reference for scband-nceaverage-13709535609447 (READ-ONLY COPY).

The authoritative reference and input builder live on the scoring server;
editing this copy changes nothing except your own understanding.
"""

import jax, jax.numpy as jnp
import numpy as np

B = 64
K = 4096
D = 128
N = 100000
T = 0.07
MOMENTUM = 0.5


def setup_inputs(seed: int = 0):
    key = jax.random.key(seed)
    ks = jax.random.split(key, 8)
    stdv = 1.0 / np.sqrt(D / 3.0)
    v1 = jax.random.normal(ks[0], (B, D), dtype=jnp.float32)
    v2 = jax.random.normal(ks[1], (B, D), dtype=jnp.float32)
    v3 = jax.random.normal(ks[2], (B, D), dtype=jnp.float32)
    y = jax.random.randint(ks[3], (B,), 0, N, dtype=jnp.int32)
    idx = jax.random.randint(ks[4], (B, K + 1), 0, N, dtype=jnp.int32)
    memory_v1 = jax.random.uniform(ks[5], (N, D), dtype=jnp.float32) * (2.0 * stdv) - stdv
    memory_v2 = jax.random.uniform(ks[6], (N, D), dtype=jnp.float32) * (2.0 * stdv) - stdv
    memory_v3 = jax.random.uniform(ks[7], (N, D), dtype=jnp.float32) * (2.0 * stdv) - stdv
    return {"v1": v1, "v2": v2, "v3": v3, "y": y, "idx": idx,
            "memory_v1": memory_v1, "memory_v2": memory_v2, "memory_v3": memory_v3}


def reference(v1, v2, v3, y, idx, memory_v1, memory_v2, memory_v3):
    Bq, Dq = v1.shape
    flat = idx.reshape(-1)
    # gather negative+positive rows from memory banks (detached in torch)
    w3 = jax.lax.stop_gradient(jnp.take(memory_v3, flat, axis=0)).reshape(Bq, K + 1, Dq)
    out_v1 = jnp.einsum('bkd,bd->bk', w3, v1)[:, :, None]
    out_v2 = jnp.einsum('bkd,bd->bk', w3, v2)[:, :, None]
    w1 = jax.lax.stop_gradient(jnp.take(memory_v1, flat, axis=0)).reshape(Bq, K + 1, Dq)
    out_v31 = jnp.einsum('bkd,bd->bk', w1, v3)[:, :, None]
    w2 = jax.lax.stop_gradient(jnp.take(memory_v2, flat, axis=0)).reshape(Bq, K + 1, Dq)
    out_v32 = jnp.einsum('bkd,bd->bk', w2, v3)[:, :, None]
    # use_softmax=True -> divide logits by temperature
    out_v1 = out_v1 / T
    out_v2 = out_v2 / T
    out_v31 = out_v31 / T
    out_v32 = out_v32 / T
    return (out_v1, out_v2, out_v31, out_v32)

if __name__ == "__main__":
    import jax
    _d = setup_inputs()
    print(jax.jit(kernel)(*tuple(_d.values())))

</pallas_src>

<mosaic_0001>
#map = affine_map<(d0, d1) -> (0)>
module attributes {stable_mosaic.version = 14 : i64} {
  func.func @_sc_gather(%arg0: i32, %arg1: i32, %arg2: memref<3407872xi32, #tpu.memory_space<hbm>>, %arg3: memref<263168xi32, #tpu.memory_space<hbm>>, %arg4: memref<263168xf32, #tpu.memory_space<hbm>>, %arg5: memref<106496xi32, #tpu.memory_space<vmem>>, %arg6: memref<4112xi32, #tpu.memory_space<vmem>>, %arg7: memref<4112xi32, #tpu.memory_space<vmem>>, %arg8: memref<4112xf32, #tpu.memory_space<vmem>>, %arg9: memref<4112xf32, #tpu.memory_space<vmem>>, %arg10: memref<!tpu.dma_semaphore, #tpu.memory_space<semaphore_mem>>) attributes {dimension_semantics = [#tpu.dimension_semantics<core_parallel>, #tpu.dimension_semantics<subcore_parallel>], iteration_bounds = array<i64: 2, 16>, scalar_prefetch = 0 : i64, scratch_operands = 6 : i64, tpu.core_type = #tpu.core_type<sc_vector_subcore>, window_params = [{transform_indices = #map}, {transform_indices = #map}, {transform_indices = #map}]} {
    %mul3A = arith.constant 2 : i32
    %mul3A_0 = arith.muli %arg1, %mul3A : i32
    %add3A = arith.addi %mul3A_0, %arg0 : i32
    %scan3A = arith.constant 0 : i32
    %scan3A_1 = arith.constant 14.2857141 : f32
    %scan3A_2 = arith.constant -65536 : i32
    %scan3A_3 = arith.constant 0 : i32
    %mul3A_4 = arith.constant 1 : i32
    %mul3A_5 = arith.muli %add3A, %mul3A_4 : i32
    %add3A_6 = arith.addi %mul3A_5, %scan3A_3 : i32
    %mul3A_7 = arith.constant 2 : i32
    %mul3A_8 = arith.muli %mul3A_7, %add3A_6 : i32
    %rem3A = arith.constant 64 : i32
    %rem3A_9 = arith.remsi %mul3A_8, %rem3A : i32
    %add3A_10 = arith.constant 1 : i32
    %add3A_11 = arith.addi %mul3A_8, %add3A_10 : i32
    %rem3A_12 = arith.constant 64 : i32
    %rem3A_13 = arith.remsi %add3A_11, %rem3A_12 : i32
    %mul3A_14 = arith.constant 106496 : i32
    %mul3A_15 = arith.muli %add3A_6, %mul3A_14 : i32
    %multiple_of3A = tpu.assume_multiple %mul3A_15, 8 : i32
    %dma_start3A = tpu.memref_slice %arg2[%multiple_of3A] : memref<3407872xi32, #tpu.memory_space<hbm>> -> memref<106496xi32, #tpu.memory_space<hbm>>
    %dma_start3A_16 = tpu.memref_slice %arg2[%multiple_of3A] : memref<3407872xi32, #tpu.memory_space<hbm>> -> memref<106496xi32, #tpu.memory_space<hbm>>
    tpu.enqueue_dma source(%dma_start3A_16 : memref<106496xi32, #tpu.memory_space<hbm>>) target(%arg5 : memref<106496xi32, #tpu.memory_space<vmem>>) target_semaphore(%arg10 : memref<!tpu.dma_semaphore, #tpu.memory_space<semaphore_mem>>)
    %mul3A_17 = arith.constant 4112 : i32
    %mul3A_18 = arith.muli %rem3A_9, %mul3A_17 : i32
    %multiple_of3A_19 = tpu.assume_multiple %mul3A_18, 8 : i32
    %dma_start3A_20 = tpu.memref_slice %arg3[%multiple_of3A_19] : memref<263168xi32, #tpu.memory_space<hbm>> -> memref<4112xi32, #tpu.memory_space<hbm>>
    %dma_start3A_21 = tpu.memref_slice %arg3[%multiple_of3A_19] : memref<263168xi32, #tpu.memory_space<hbm>> -> memref<4112xi32, #tpu.memory_space<hbm>>
    tpu.enqueue_dma source(%dma_start3A_21 : memref<4112xi32, #tpu.memory_space<hbm>>) target(%arg6 : memref<4112xi32, #tpu.memory_space<vmem>>) target_semaphore(%arg10 : memref<!tpu.dma_semaphore, #tpu.memory_space<semaphore_mem>>)
    %mul3A_22 = arith.constant 4112 : i32
    %mul3A_23 = arith.muli %rem3A_13, %mul3A_22 : i32
    %multiple_of3A_24 = tpu.assume_multiple %mul3A_23, 8 : i32
    %dma_start3A_25 = tpu.memref_slice %arg3[%multiple_of3A_24] : memref<263168xi32, #tpu.memory_space<hbm>> -> memref<4112xi32, #tpu.memory_space<hbm>>
    %dma_start3A_26 = tpu.memref_slice %arg3[%multiple_of3A_24] : memref<263168xi32, #tpu.memory_space<hbm>> -> memref<4112xi32, #tpu.memory_space<hbm>>
    tpu.enqueue_dma source(%dma_start3A_26 : memref<4112xi32, #tpu.memory_space<hbm>>) target(%arg7 : memref<4112xi32, #tpu.memory_space<vmem>>) target_semaphore(%arg10 : memref<!tpu.dma_semaphore, #tpu.memory_space<semaphore_mem>>)
    %dma_wait3A = tpu.memref_slice %arg3[%multiple_of3A_19] : memref<263168xi32, #tpu.memory_space<hbm>> -> memref<4112xi32, #tpu.memory_space<hbm>>
    %dma_wait3A_27 = tpu.memref_slice %arg3[%multiple_of3A_19] : memref<263168xi32, #tpu.memory_space<hbm>> -> memref<4112xi32, #tpu.memory_space<hbm>>
    tpu.wait_dma2 semaphore(%arg10 : memref<!tpu.dma_semaphore, #tpu.memory_space<semaphore_mem>>) src(%dma_wait3A_27 : memref<4112xi32, #tpu.memory_space<hbm>>) dst(%arg6 : memref<4112xi32, #tpu.memory_space<vmem>>)
    %dma_wait3A_28 = tpu.memref_slice %arg3[%multiple_of3A_24] : memref<263168xi32, #tpu.memory_space<hbm>> -> memref<4112xi32, #tpu.memory_space<hbm>>
    %dma_wait3A_29 = tpu.memref_slice %arg3[%multiple_of3A_24] : memref<263168xi32, #tpu.memory_space<hbm>> -> memref<4112xi32, #tpu.memory_space<hbm>>
    tpu.wait_dma2 semaphore(%arg10 : memref<!tpu.dma_semaphore, #tpu.memory_space<semaphore_mem>>) src(%dma_wait3A_29 : memref<4112xi32, #tpu.memory_space<hbm>>) dst(%arg7 : memref<4112xi32, #tpu.memory_space<vmem>>)
    %dma_wait3A_30 = tpu.memref_slice %arg2[%multiple_of3A] : memref<3407872xi32, #tpu.memory_space<hbm>> -> memref<106496xi32, #tpu.memory_space<hbm>>
    %dma_wait3A_31 = tpu.memref_slice %arg2[%multiple_of3A] : memref<3407872xi32, #tpu.memory_space<hbm>> -> memref<106496xi32, #tpu.memory_space<hbm>>
    tpu.wait_dma2 semaphore(%arg10 : memref<!tpu.dma_semaphore, #tpu.memory_space<semaphore_mem>>) src(%dma_wait3A_31 : memref<106496xi32, #tpu.memory_space<hbm>>) dst(%arg5 : memref<106496xi32, #tpu.memory_space<vmem>>)
    %scan3A_32 = arith.constant 0 : i32
    %scan3A_33 = arith.constant 0 : i32
    %scan3A_34 = arith.constant 257 : i32
    %scan3A_35 = arith.addi %scan3A_33, %scan3A_34 : i32
    %scan3A_36 = arith.constant 1 : i32
    scf.for %scan3A_47 = %scan3A_33 to %scan3A_35 step %scan3A_36  : i32 {
      %mul3A_48 = arith.constant 16 : i32
      %mul3A_49 = arith.muli %scan3A_47, %mul3A_48 : i32
      %get3A = arith.index_cast %mul3A_49 : i32 to index
      %get3A_50 = tpu.vector_load %arg6[%get3A] {strides = array<i32>} : memref<4112xi32, #tpu.memory_space<vmem>>, vector<16xi32>,
      %gather3A = tpu.vector_load_idx %arg5[%get3A_50] : memref<106496xi32, #tpu.memory_space<vmem>>[vector<16xi32>], vector<16xi32>,
      %shift_left3A = arith.constant 16 : i32
      %shift_left3A_51 = vector.broadcast %shift_left3A : i32 to vector<16xi32>
      %shift_left3A_52 = arith.shli %gather3A, %shift_left3A_51 : vector<16xi32>
      %bitcast3A = vector.bitcast %shift_left3A_52 : vector<16xi32> to vector<16xf32>
      %mul3A_53 = vector.broadcast %scan3A_1 : f32 to vector<16xf32>
      %mul3A_54 = arith.mulf %bitcast3A, %mul3A_53 : vector<16xf32>
      %swap3A = arith.index_cast %mul3A_49 : i32 to index
      %swap3A_55 = tpu.vector_load %arg8[%swap3A] {strides = array<i32>} : memref<4112xf32, #tpu.memory_space<vmem>>, vector<16xf32>,
      tpu.vector_store %arg8[%swap3A], %mul3A_54 {strides = array<i32>} : memref<4112xf32, #tpu.memory_space<vmem>>, vector<16xf32>,
      %get3A_56 = arith.index_cast %mul3A_49 : i32 to index
      %get3A_57 = tpu.vector_load %arg7[%get3A_56] {strides = array<i32>} : memref<4112xi32, #tpu.memory_space<vmem>>, vector<16xi32>,
      %gather3A_58 = tpu.vector_load_idx %arg5[%get3A_57] : memref<106496xi32, #tpu.memory_space<vmem>>[vector<16xi32>], vector<16xi32>,
      %and3A = vector.broadcast %scan3A_2 : i32 to vector<16xi32>
      %and3A_59 = arith.andi %gather3A_58, %and3A : vector<16xi32>
      %bitcast3A_60 = vector.bitcast %and3A_59 : vector<16xi32> to vector<16xf32>
      %mul3A_61 = vector.broadcast %scan3A_1 : f32 to vector<16xf32>
      %mul3A_62 = arith.mulf %bitcast3A_60, %mul3A_61 : vector<16xf32>
      %swap3A_63 = arith.index_cast %mul3A_49 : i32 to index
      %swap3A_64 = tpu.vector_load %arg9[%swap3A_63] {strides = array<i32>} : memref<4112xf32, #tpu.memory_space<vmem>>, vector<16xf32>,
      tpu.vector_store %arg9[%swap3A_63], %mul3A_62 {strides = array<i32>} : memref<4112xf32, #tpu.memory_space<vmem>>, vector<16xf32>,
    }
    %scan3A_37 = arith.constant 257 : i32
    %mul3A_38 = arith.constant 4112 : i32
    %mul3A_39 = arith.muli %mul3A_8, %mul3A_38 : i32
    %multiple_of3A_40 = tpu.assume_multiple %mul3A_39, 8 : i32
    "tpu.region"() ({
      %run_scoped3A = tpu.sem_alloc : memref<!tpu.dma_semaphore, #tpu.memory_space<semaphore_mem>>
      %dma_start3A_47 = tpu.memref_slice %arg4[%multiple_of3A_40] : memref<263168xf32, #tpu.memory_space<hbm>> -> memref<4112xf32, #tpu.memory_space<hbm>>
      %dma_start3A_48 = tpu.memref_slice %arg4[%multiple_of3A_40] : memref<263168xf32, #tpu.memory_space<hbm>> -> memref<4112xf32, #tpu.memory_space<hbm>>
      tpu.enqueue_dma source(%arg8 : memref<4112xf32, #tpu.memory_space<vmem>>) target(%dma_start3A_48 : memref<4112xf32, #tpu.memory_space<hbm>>) target_semaphore(%run_scoped3A : memref<!tpu.dma_semaphore, #tpu.memory_space<semaphore_mem>>)
      %dma_wait3A_49 = tpu.memref_slice %arg4[%multiple_of3A_40] : memref<263168xf32, #tpu.memory_space<hbm>> -> memref<4112xf32, #tpu.memory_space<hbm>>
      %dma_wait3A_50 = tpu.memref_slice %arg4[%multiple_of3A_40] : memref<263168xf32, #tpu.memory_space<hbm>> -> memref<4112xf32, #tpu.memory_space<hbm>>
      tpu.wait_dma2 semaphore(%run_scoped3A : memref<!tpu.dma_semaphore, #tpu.memory_space<semaphore_mem>>) src(%arg8 : memref<4112xf32, #tpu.memory_space<vmem>>) dst(%dma_wait3A_50 : memref<4112xf32, #tpu.memory_space<hbm>>)
      tpu.yield
    }) : () -> ()
    %add3A_41 = arith.constant 1 : i32
    %add3A_42 = arith.addi %mul3A_8, %add3A_41 : i32
    %mul3A_43 = arith.constant 4112 : i32
    %mul3A_44 = arith.muli %add3A_42, %mul3A_43 : i32
    %multiple_of3A_45 = tpu.assume_multiple %mul3A_44, 8 : i32
    "tpu.region"() ({
      %run_scoped3A = tpu.sem_alloc : memref<!tpu.dma_semaphore, #tpu.memory_space<semaphore_mem>>
      %dma_start3A_47 = tpu.memref_slice %arg4[%multiple_of3A_45] : memref<263168xf32, #tpu.memory_space<hbm>> -> memref<4112xf32, #tpu.memory_space<hbm>>
      %dma_start3A_48 = tpu.memref_slice %arg4[%multiple_of3A_45] : memref<263168xf32, #tpu.memory_space<hbm>> -> memref<4112xf32, #tpu.memory_space<hbm>>
      tpu.enqueue_dma source(%arg9 : memref<4112xf32, #tpu.memory_space<vmem>>) target(%dma_start3A_48 : memref<4112xf32, #tpu.memory_space<hbm>>) target_semaphore(%run_scoped3A : memref<!tpu.dma_semaphore, #tpu.memory_space<semaphore_mem>>)
      %dma_wait3A_49 = tpu.memref_slice %arg4[%multiple_of3A_45] : memref<263168xf32, #tpu.memory_space<hbm>> -> memref<4112xf32, #tpu.memory_space<hbm>>
      %dma_wait3A_50 = tpu.memref_slice %arg4[%multiple_of3A_45] : memref<263168xf32, #tpu.memory_space<hbm>> -> memref<4112xf32, #tpu.memory_space<hbm>>
      tpu.wait_dma2 semaphore(%run_scoped3A : memref<!tpu.dma_semaphore, #tpu.memory_space<semaphore_mem>>) src(%arg9 : memref<4112xf32, #tpu.memory_space<vmem>>) dst(%dma_wait3A_50 : memref<4112xf32, #tpu.memory_space<hbm>>)
      tpu.yield
    }) : () -> ()
    %scan3A_46 = arith.constant 1 : i32
    return
  }
}

#map = affine_map<(d0, d1) -> (0)>
module attributes {stable_mosaic.version = 14 : i64} {
  func.func @_sc_gather(%arg0: i32, %arg1: i32, %arg2: memref<3407872xi32, #tpu.memory_space<hbm>>, %arg3: memref<263168xi32, #tpu.memory_space<hbm>>, %arg4: memref<263168xf32, #tpu.memory_space<hbm>>, %arg5: memref<106496xi32, #tpu.memory_space<vmem>>, %arg6: memref<4112xi32, #tpu.memory_space<vmem>>, %arg7: memref<4112xi32, #tpu.memory_space<vmem>>, %arg8: memref<4112xf32, #tpu.memory_space<vmem>>, %arg9: memref<4112xf32, #tpu.memory_space<vmem>>, %arg10: memref<!tpu.dma_semaphore, #tpu.memory_space<semaphore_mem>>) attributes {dimension_semantics = [#tpu.dimension_semantics<core_parallel>, #tpu.dimension_semantics<subcore_parallel>], iteration_bounds = array<i64: 2, 16>, scalar_prefetch = 0 : i64, scratch_operands = 6 : i64, tpu.core_type = #tpu.core_type<sc_vector_subcore>, window_params = [{transform_indices = #map}, {transform_indices = #map}, {transform_indices = #map}]} {
    %mul3A = arith.constant 2 : i32
    %mul3A_0 = arith.muli %arg1, %mul3A : i32
    %add3A = arith.addi %mul3A_0, %arg0 : i32
    %scan3A = arith.constant 0 : i32
    %scan3A_1 = arith.constant 14.2857141 : f32
    %scan3A_2 = arith.constant -65536 : i32
    %scan3A_3 = arith.constant 0 : i32
    %mul3A_4 = arith.constant 1 : i32
    %mul3A_5 = arith.muli %add3A, %mul3A_4 : i32
    %add3A_6 = arith.addi %mul3A_5, %scan3A_3 : i32
    %mul3A_7 = arith.constant 2 : i32
    %mul3A_8 = arith.muli %mul3A_7, %add3A_6 : i32
    %rem3A = arith.constant 64 : i32
    %rem3A_9 = arith.remsi %mul3A_8, %rem3A : i32
    %add3A_10 = arith.constant 1 : i32
    %add3A_11 = arith.addi %mul3A_8, %add3A_10 : i32
    %rem3A_12 = arith.constant 64 : i32
    %rem3A_13 = arith.remsi %add3A_11, %rem3A_12 : i32
    %mul3A_14 = arith.constant 106496 : i32
    %mul3A_15 = arith.muli %add3A_6, %mul3A_14 : i32
    %multiple_of3A = tpu.assume_multiple %mul3A_15, 8 : i32
    %dma_start3A = tpu.memref_slice %arg2[%multiple_of3A] : memref<3407872xi32, #tpu.memory_space<hbm>> -> memref<106496xi32, #tpu.memory_space<hbm>>
    %dma_start3A_16 = tpu.memref_slice %arg2[%multiple_of3A] : memref<3407872xi32, #tpu.memory_space<hbm>> -> memref<106496xi32, #tpu.memory_space<hbm>>
    tpu.enqueue_dma source(%dma_start3A_16 : memref<106496xi32, #tpu.memory_space<hbm>>) target(%arg5 : memref<106496xi32, #tpu.memory_space<vmem>>) target_semaphore(%arg10 : memref<!tpu.dma_semaphore, #tpu.memory_space<semaphore_mem>>)
    %mul3A_17 = arith.constant 4112 : i32
    %mul3A_18 = arith.muli %rem3A_9, %mul3A_17 : i32
    %multiple_of3A_19 = tpu.assume_multiple %mul3A_18, 8 : i32
    %dma_start3A_20 = tpu.memref_slice %arg3[%multiple_of3A_19] : memref<263168xi32, #tpu.memory_space<hbm>> -> memref<4112xi32, #tpu.memory_space<hbm>>
    %dma_start3A_21 = tpu.memref_slice %arg3[%multiple_of3A_19] : memref<263168xi32, #tpu.memory_space<hbm>> -> memref<4112xi32, #tpu.memory_space<hbm>>
    tpu.enqueue_dma source(%dma_start3A_21 : memref<4112xi32, #tpu.memory_space<hbm>>) target(%arg6 : memref<4112xi32, #tpu.memory_space<vmem>>) target_semaphore(%arg10 : memref<!tpu.dma_semaphore, #tpu.memory_space<semaphore_mem>>)
    %mul3A_22 = arith.constant 4112 : i32
    %mul3A_23 = arith.muli %rem3A_13, %mul3A_22 : i32
    %multiple_of3A_24 = tpu.assume_multiple %mul3A_23, 8 : i32
    %dma_start3A_25 = tpu.memref_slice %arg3[%multiple_of3A_24] : memref<263168xi32, #tpu.memory_space<hbm>> -> memref<4112xi32, #tpu.memory_space<hbm>>
    %dma_start3A_26 = tpu.memref_slice %arg3[%multiple_of3A_24] : memref<263168xi32, #tpu.memory_space<hbm>> -> memref<4112xi32, #tpu.memory_space<hbm>>
    tpu.enqueue_dma source(%dma_start3A_26 : memref<4112xi32, #tpu.memory_space<hbm>>) target(%arg7 : memref<4112xi32, #tpu.memory_space<vmem>>) target_semaphore(%arg10 : memref<!tpu.dma_semaphore, #tpu.memory_space<semaphore_mem>>)
    %dma_wait3A = tpu.memref_slice %arg3[%multiple_of3A_19] : memref<263168xi32, #tpu.memory_space<hbm>> -> memref<4112xi32, #tpu.memory_space<hbm>>
    %dma_wait3A_27 = tpu.memref_slice %arg3[%multiple_of3A_19] : memref<263168xi32, #tpu.memory_space<hbm>> -> memref<4112xi32, #tpu.memory_space<hbm>>
    tpu.wait_dma2 semaphore(%arg10 : memref<!tpu.dma_semaphore, #tpu.memory_space<semaphore_mem>>) src(%dma_wait3A_27 : memref<4112xi32, #tpu.memory_space<hbm>>) dst(%arg6 : memref<4112xi32, #tpu.memory_space<vmem>>)
    %dma_wait3A_28 = tpu.memref_slice %arg3[%multiple_of3A_24] : memref<263168xi32, #tpu.memory_space<hbm>> -> memref<4112xi32, #tpu.memory_space<hbm>>
    %dma_wait3A_29 = tpu.memref_slice %arg3[%multiple_of3A_24] : memref<263168xi32, #tpu.memory_space<hbm>> -> memref<4112xi32, #tpu.memory_space<hbm>>
    tpu.wait_dma2 semaphore(%arg10 : memref<!tpu.dma_semaphore, #tpu.memory_space<semaphore_mem>>) src(%dma_wait3A_29 : memref<4112xi32, #tpu.memory_space<hbm>>) dst(%arg7 : memref<4112xi32, #tpu.memory_space<vmem>>)
    %dma_wait3A_30 = tpu.memref_slice %arg2[%multiple_of3A] : memref<3407872xi32, #tpu.memory_space<hbm>> -> memref<106496xi32, #tpu.memory_space<hbm>>
    %dma_wait3A_31 = tpu.memref_slice %arg2[%multiple_of3A] : memref<3407872xi32, #tpu.memory_space<hbm>> -> memref<106496xi32, #tpu.memory_space<hbm>>
    tpu.wait_dma2 semaphore(%arg10 : memref<!tpu.dma_semaphore, #tpu.memory_space<semaphore_mem>>) src(%dma_wait3A_31 : memref<106496xi32, #tpu.memory_space<hbm>>) dst(%arg5 : memref<106496xi32, #tpu.memory_space<vmem>>)
    %scan3A_32 = arith.constant 0 : i32
    %scan3A_33 = arith.constant 0 : i32
    %scan3A_34 = arith.constant 257 : i32
    %scan3A_35 = arith.addi %scan3A_33, %scan3A_34 : i32
    %scan3A_36 = arith.constant 1 : i32
    scf.for %scan3A_47 = %scan3A_33 to %scan3A_35 step %scan3A_36  : i32 {
      %mul3A_48 = arith.constant 16 : i32
      %mul3A_49 = arith.muli %scan3A_47, %mul3A_48 : i32
      %get3A = arith.index_cast %mul3A_49 : i32 to index
      %get3A_50 = tpu.vector_load %arg6[%get3A] {strides = array<i32>} : memref<4112xi32, #tpu.memory_space<vmem>>, vector<16xi32>,
      %gather3A = tpu.vector_load_idx %arg5[%get3A_50] : memref<106496xi32, #tpu.memory_space<vmem>>[vector<16xi32>], vector<16xi32>,
      %shift_left3A = arith.constant 16 : i32
      %shift_left3A_51 = vector.broadcast %shift_left3A : i32 to vector<16xi32>
      %shift_left3A_52 = arith.shli %gather3A, %shift_left3A_51 : vector<16xi32>
      %bitcast3A = vector.bitcast %shift_left3A_52 : vector<16xi32> to vector<16xf32>
      %mul3A_53 = vector.broadcast %scan3A_1 : f32 to vector<16xf32>
      %mul3A_54 = arith.mulf %bitcast3A, %mul3A_53 : vector<16xf32>
      %swap3A = arith.index_cast %mul3A_49 : i32 to index
      %swap3A_55 = tpu.vector_load %arg8[%swap3A] {strides = array<i32>} : memref<4112xf32, #tpu.memory_space<vmem>>, vector<16xf32>,
      tpu.vector_store %arg8[%swap3A], %mul3A_54 {strides = array<i32>} : memref<4112xf32, #tpu.memory_space<vmem>>, vector<16xf32>,
      %get3A_56 = arith.index_cast %mul3A_49 : i32 to index
      %get3A_57 = tpu.vector_load %arg7[%get3A_56] {strides = array<i32>} : memref<4112xi32, #tpu.memory_space<vmem>>, vector<16xi32>,
      %gather3A_58 = tpu.vector_load_idx %arg5[%get3A_57] : memref<106496xi32, #tpu.memory_space<vmem>>[vector<16xi32>], vector<16xi32>,
      %and3A = vector.broadcast %scan3A_2 : i32 to vector<16xi32>
      %and3A_59 = arith.andi %gather3A_58, %and3A : vector<16xi32>
      %bitcast3A_60 = vector.bitcast %and3A_59 : vector<16xi32> to vector<16xf32>
      %mul3A_61 = vector.broadcast %scan3A_1 : f32 to vector<16xf32>
      %mul3A_62 = arith.mulf %bitcast3A_60, %mul3A_61 : vector<16xf32>
      %swap3A_63 = arith.index_cast %mul3A_49 : i32 to index
      %swap3A_64 = tpu.vector_load %arg9[%swap3A_63] {strides = array<i32>} : memref<4112xf32, #tpu.memory_space<vmem>>, vector<16xf32>,
      tpu.vector_store %arg9[%swap3A_63], %mul3A_62 {strides = array<i32>} : memref<4112xf32, #tpu.memory_space<vmem>>, vector<16xf32>,
    }
    %scan3A_37 = arith.constant 257 : i32
    %mul3A_38 = arith.constant 4112 : i32
    %mul3A_39 = arith.muli %mul3A_8, %mul3A_38 : i32
    %multiple_of3A_40 = tpu.assume_multiple %mul3A_39, 8 : i32
    "tpu.region"() ({
      %run_scoped3A = tpu.sem_alloc : memref<!tpu.dma_semaphore, #tpu.memory_space<semaphore_mem>>
      %dma_start3A_47 = tpu.memref_slice %arg4[%multiple_of3A_40] : memref<263168xf32, #tpu.memory_space<hbm>> -> memref<4112xf32, #tpu.memory_space<hbm>>
      %dma_start3A_48 = tpu.memref_slice %arg4[%multiple_of3A_40] : memref<263168xf32, #tpu.memory_space<hbm>> -> memref<4112xf32, #tpu.memory_space<hbm>>
      tpu.enqueue_dma source(%arg8 : memref<4112xf32, #tpu.memory_space<vmem>>) target(%dma_start3A_48 : memref<4112xf32, #tpu.memory_space<hbm>>) target_semaphore(%run_scoped3A : memref<!tpu.dma_semaphore, #tpu.memory_space<semaphore_mem>>)
      %dma_wait3A_49 = tpu.memref_slice %arg4[%multiple_of3A_40] : memref<263168xf32, #tpu.memory_space<hbm>> -> memref<4112xf32, #tpu.memory_space<hbm>>
      %dma_wait3A_50 = tpu.memref_slice %arg4[%multiple_of3A_40] : memref<263168xf32, #tpu.memory_space<hbm>> -> memref<4112xf32, #tpu.memory_space<hbm>>
      tpu.wait_dma2 semaphore(%run_scoped3A : memref<!tpu.dma_semaphore, #tpu.memory_space<semaphore_mem>>) src(%arg8 : memref<4112xf32, #tpu.memory_space<vmem>>) dst(%dma_wait3A_50 : memref<4112xf32, #tpu.memory_space<hbm>>)
      tpu.yield
    }) : () -> ()
    %add3A_41 = arith.constant 1 : i32
    %add3A_42 = arith.addi %mul3A_8, %add3A_41 : i32
    %mul3A_43 = arith.constant 4112 : i32
    %mul3A_44 = arith.muli %add3A_42, %mul3A_43 : i32
    %multiple_of3A_45 = tpu.assume_multiple %mul3A_44, 8 : i32
    "tpu.region"() ({
      %run_scoped3A = tpu.sem_alloc : memref<!tpu.dma_semaphore, #tpu.memory_space<semaphore_mem>>
      %dma_start3A_47 = tpu.memref_slice %arg4[%multiple_of3A_45] : memref<263168xf32, #tpu.memory_space<hbm>> -> memref<4112xf32, #tpu.memory_space<hbm>>
      %dma_start3A_48 = tpu.memref_slice %arg4[%multiple_of3A_45] : memref<263168xf32, #tpu.memory_space<hbm>> -> memref<4112xf32, #tpu.memory_space<hbm>>
      tpu.enqueue_dma source(%arg9 : memref<4112xf32, #tpu.memory_space<vmem>>) target(%dma_start3A_48 : memref<4112xf32, #tpu.memory_space<hbm>>) target_semaphore(%run_scoped3A : memref<!tpu.dma_semaphore, #tpu.memory_space<semaphore_mem>>)
      %dma_wait3A_49 = tpu.memref_slice %arg4[%multiple_of3A_45] : memref<263168xf32, #tpu.memory_space<hbm>> -> memref<4112xf32, #tpu.memory_space<hbm>>
      %dma_wait3A_50 = tpu.memref_slice %arg4[%multiple_of3A_45] : memref<263168xf32, #tpu.memory_space<hbm>> -> memref<4112xf32, #tpu.memory_space<hbm>>
      tpu.wait_dma2 semaphore(%run_scoped3A : memref<!tpu.dma_semaphore, #tpu.memory_space<semaphore_mem>>) src(%arg9 : memref<4112xf32, #tpu.memory_space<vmem>>) dst(%dma_wait3A_50 : memref<4112xf32, #tpu.memory_space<hbm>>)
      tpu.yield
    }) : () -> ()
    %scan3A_46 = arith.constant 1 : i32
    return
  }
}

#map = affine_map<(d0, d1) -> (0)>
module attributes {stable_mosaic.version = 14 : i64} {
  func.func @_sc_gather(%arg0: i32, %arg1: i32, %arg2: memref<6815744xi32, #tpu.memory_space<hbm>>, %arg3: memref<263168xi32, #tpu.memory_space<hbm>>, %arg4: memref<526336xf32, #tpu.memory_space<hbm>>, %arg5: memref<106496xi32, #tpu.memory_space<vmem>>, %arg6: memref<4112xi32, #tpu.memory_space<vmem>>, %arg7: memref<4112xi32, #tpu.memory_space<vmem>>, %arg8: memref<4112xf32, #tpu.memory_space<vmem>>, %arg9: memref<4112xf32, #tpu.memory_space<vmem>>, %arg10: memref<!tpu.dma_semaphore, #tpu.memory_space<semaphore_mem>>) attributes {dimension_semantics = [#tpu.dimension_semantics<core_parallel>, #tpu.dimension_semantics<subcore_parallel>], iteration_bounds = array<i64: 2, 16>, scalar_prefetch = 0 : i64, scratch_operands = 6 : i64, tpu.core_type = #tpu.core_type<sc_vector_subcore>, window_params = [{transform_indices = #map}, {transform_indices = #map}, {transform_indices = #map}]} {
    %mul3A = arith.constant 2 : i32
    %mul3A_0 = arith.muli %arg1, %mul3A : i32
    %add3A = arith.addi %mul3A_0, %arg0 : i32
    %scan3A = arith.constant 0 : i32
    %scan3A_1 = arith.constant 14.2857141 : f32
    %scan3A_2 = arith.constant -65536 : i32
    %scan3A_3 = arith.constant 0 : i32
    %scan3A_4 = arith.constant 2 : i32
    %scan3A_5 = arith.addi %scan3A_3, %scan3A_4 : i32
    %scan3A_6 = arith.constant 1 : i32
    scf.for %scan3A_8 = %scan3A_3 to %scan3A_5 step %scan3A_6  : i32 {
      %mul3A_9 = arith.constant 2 : i32
      %mul3A_10 = arith.muli %add3A, %mul3A_9 : i32
      %add3A_11 = arith.addi %mul3A_10, %scan3A_8 : i32
      %mul3A_12 = arith.constant 2 : i32
      %mul3A_13 = arith.muli %mul3A_12, %add3A_11 : i32
      %rem3A = arith.constant 64 : i32
      %rem3A_14 = arith.remsi %mul3A_13, %rem3A : i32
      %add3A_15 = arith.constant 1 : i32
      %add3A_16 = arith.addi %mul3A_13, %add3A_15 : i32
      %rem3A_17 = arith.constant 64 : i32
      %rem3A_18 = arith.remsi %add3A_16, %rem3A_17 : i32
      %mul3A_19 = arith.constant 106496 : i32
      %mul3A_20 = arith.muli %add3A_11, %mul3A_19 : i32
      %multiple_of3A = tpu.assume_multiple %mul3A_20, 8 : i32
      %dma_start3A = tpu.memref_slice %arg2[%multiple_of3A] : memref<6815744xi32, #tpu.memory_space<hbm>> -> memref<106496xi32, #tpu.memory_space<hbm>>
      %dma_start3A_21 = tpu.memref_slice %arg2[%multiple_of3A] : memref<6815744xi32, #tpu.memory_space<hbm>> -> memref<106496xi32, #tpu.memory_space<hbm>>
      tpu.enqueue_dma source(%dma_start3A_21 : memref<106496xi32, #tpu.memory_space<hbm>>) target(%arg5 : memref<106496xi32, #tpu.memory_space<vmem>>) target_semaphore(%arg10 : memref<!tpu.dma_semaphore, #tpu.memory_space<semaphore_mem>>)
      %mul3A_22 = arith.constant 4112 : i32
      %mul3A_23 = arith.muli %rem3A_14, %mul3A_22 : i32
      %multiple_of3A_24 = tpu.assume_multiple %mul3A_23, 8 : i32
      %dma_start3A_25 = tpu.memref_slice %arg3[%multiple_of3A_24] : memref<263168xi32, #tpu.memory_space<hbm>> -> memref<4112xi32, #tpu.memory_space<hbm>>
      %dma_start3A_26 = tpu.memref_slice %arg3[%multiple_of3A_24] : memref<263168xi32, #tpu.memory_space<hbm>> -> memref<4112xi32, #tpu.memory_space<hbm>>
      tpu.enqueue_dma source(%dma_start3A_26 : memref<4112xi32, #tpu.memory_space<hbm>>) target(%arg6 : memref<4112xi32, #tpu.memory_space<vmem>>) target_semaphore(%arg10 : memref<!tpu.dma_semaphore, #tpu.memory_space<semaphore_mem>>)
      %mul3A_27 = arith.constant 4112 : i32
      %mul3A_28 = arith.muli %rem3A_18, %mul3A_27 : i32
      %multiple_of3A_29 = tpu.assume_multiple %mul3A_28, 8 : i32
      %dma_start3A_30 = tpu.memref_slice %arg3[%multiple_of3A_29] : memref<263168xi32, #tpu.memory_space<hbm>> -> memref<4112xi32, #tpu.memory_space<hbm>>
      %dma_start3A_31 = tpu.memref_slice %arg3[%multiple_of3A_29] : memref<263168xi32, #tpu.memory_space<hbm>> -> memref<4112xi32, #tpu.memory_space<hbm>>
      tpu.enqueue_dma source(%dma_start3A_31 : memref<4112xi32, #tpu.memory_space<hbm>>) target(%arg7 : memref<4112xi32, #tpu.memory_space<vmem>>) target_semaphore(%arg10 : memref<!tpu.dma_semaphore, #tpu.memory_space<semaphore_mem>>)
      %dma_wait3A = tpu.memref_slice %arg3[%multiple_of3A_24] : memref<263168xi32, #tpu.memory_space<hbm>> -> memref<4112xi32, #tpu.memory_space<hbm>>
      %dma_wait3A_32 = tpu.memref_slice %arg3[%multiple_of3A_24] : memref<263168xi32, #tpu.memory_space<hbm>> -> memref<4112xi32, #tpu.memory_space<hbm>>
      tpu.wait_dma2 semaphore(%arg10 : memref<!tpu.dma_semaphore, #tpu.memory_space<semaphore_mem>>) src(%dma_wait3A_32 : memref<4112xi32, #tpu.memory_space<hbm>>) dst(%arg6 : memref<4112xi32, #tpu.memory_space<vmem>>)
      %dma_wait3A_33 = tpu.memref_slice %arg3[%multiple_of3A_29] : memref<263168xi32, #tpu.memory_space<hbm>> -> memref<4112xi32, #tpu.memory_space<hbm>>
      %dma_wait3A_34 = tpu.memref_slice %arg3[%multiple_of3A_29] : memref<263168xi32, #tpu.memory_space<hbm>> -> memref<4112xi32, #tpu.memory_space<hbm>>
      tpu.wait_dma2 semaphore(%arg10 : memref<!tpu.dma_semaphore, #tpu.memory_space<semaphore_mem>>) src(%dma_wait3A_34 : memref<4112xi32, #tpu.memory_space<hbm>>) dst(%arg7 : memref<4112xi32, #tpu.memory_space<vmem>>)
      %dma_wait3A_35 = tpu.memref_slice %arg2[%multiple_of3A] : memref<6815744xi32, #tpu.memory_space<hbm>> -> memref<106496xi32, #tpu.memory_space<hbm>>
      %dma_wait3A_36 = tpu.memref_slice %arg2[%multiple_of3A] : memref<6815744xi32, #tpu.memory_space<hbm>> -> memref<106496xi32, #tpu.memory_space<hbm>>
      tpu.wait_dma2 semaphore(%arg10 : memref<!tpu.dma_semaphore, #tpu.memory_space<semaphore_mem>>) src(%dma_wait3A_36 : memref<106496xi32, #tpu.memory_space<hbm>>) dst(%arg5 : memref<106496xi32, #tpu.memory_space<vmem>>)
      %scan3A_37 = arith.constant 0 : i32
      %scan3A_38 = arith.constant 0 : i32
      %scan3A_39 = arith.constant 257 : i32
      %scan3A_40 = arith.addi %scan3A_38, %scan3A_39 : i32
      %scan3A_41 = arith.constant 1 : i32
      scf.for %scan3A_51 = %scan3A_38 to %scan3A_40 step %scan3A_41  : i32 {
        %mul3A_52 = arith.constant 16 : i32
        %mul3A_53 = arith.muli %scan3A_51, %mul3A_52 : i32
        %get3A = arith.index_cast %mul3A_53 : i32 to index
        %get3A_54 = tpu.vector_load %arg6[%get3A] {strides = array<i32>} : memref<4112xi32, #tpu.memory_space<vmem>>, vector<16xi32>,
        %gather3A = tpu.vector_load_idx %arg5[%get3A_54] : memref<106496xi32, #tpu.memory_space<vmem>>[vector<16xi32>], vector<16xi32>,
        %shift_left3A = arith.constant 16 : i32
        %shift_left3A_55 = vector.broadcast %shift_left3A : i32 to vector<16xi32>
        %shift_left3A_56 = arith.shli %gather3A, %shift_left3A_55 : vector<16xi32>
        %bitcast3A = vector.bitcast %shift_left3A_56 : vector<16xi32> to vector<16xf32>
        %mul3A_57 = vector.broadcast %scan3A_1 : f32 to vector<16xf32>
        %mul3A_58 = arith.mulf %bitcast3A, %mul3A_57 : vector<16xf32>
        %swap3A = arith.index_cast %mul3A_53 : i32 to index
        %swap3A_59 = tpu.vector_load %arg8[%swap3A] {strides = array<i32>} : memref<4112xf32, #tpu.memory_space<vmem>>, vector<16xf32>,
        tpu.vector_store %arg8[%swap3A], %mul3A_58 {strides = array<i32>} : memref<4112xf32, #tpu.memory_space<vmem>>, vector<16xf32>,
        %get3A_60 = arith.index_cast %mul3A_53 : i32 to index
        %get3A_61 = tpu.vector_load %arg7[%get3A_60] {strides = array<i32>} : memref<4112xi32, #tpu.memory_space<vmem>>, vector<16xi32>,
        %gather3A_62 = tpu.vector_load_idx %arg5[%get3A_61] : memref<106496xi32, #tpu.memory_space<vmem>>[vector<16xi32>], vector<16xi32>,
        %and3A = vector.broadcast %scan3A_2 : i32 to vector<16xi32>
        %and3A_63 = arith.andi %gather3A_62, %and3A : vector<16xi32>
        %bitcast3A_64 = vector.bitcast %and3A_63 : vector<16xi32> to vector<16xf32>
        %mul3A_65 = vector.broadcast %scan3A_1 : f32 to vector<16xf32>
        %mul3A_66 = arith.mulf %bitcast3A_64, %mul3A_65 : vector<16xf32>
        %swap3A_67 = arith.index_cast %mul3A_53 : i32 to index
        %swap3A_68 = tpu.vector_load %arg9[%swap3A_67] {strides = array<i32>} : memref<4112xf32, #tpu.memory_space<vmem>>, vector<16xf32>,
        tpu.vector_store %arg9[%swap3A_67], %mul3A_66 {strides = array<i32>} : memref<4112xf32, #tpu.memory_space<vmem>>, vector<16xf32>,
      }
      %scan3A_42 = arith.constant 257 : i32
      %mul3A_43 = arith.constant 4112 : i32
      %mul3A_44 = arith.muli %mul3A_13, %mul3A_43 : i32
      %multiple_of3A_45 = tpu.assume_multiple %mul3A_44, 8 : i32
      "tpu.region"() ({
        %run_scoped3A = tpu.sem_alloc : memref<!tpu.dma_semaphore, #tpu.memory_space<semaphore_mem>>
        %dma_start3A_51 = tpu.memref_slice %arg4[%multiple_of3A_45] : memref<526336xf32, #tpu.memory_space<hbm>> -> memref<4112xf32, #tpu.memory_space<hbm>>
        %dma_start3A_52 = tpu.memref_slice %arg4[%multiple_of3A_45] : memref<526336xf32, #tpu.memory_space<hbm>> -> memref<4112xf32, #tpu.memory_space<hbm>>
        tpu.enqueue_dma source(%arg8 : memref<4112xf32, #tpu.memory_space<vmem>>) target(%dma_start3A_52 : memref<4112xf32, #tpu.memory_space<hbm>>) target_semaphore(%run_scoped3A : memref<!tpu.dma_semaphore, #tpu.memory_space<semaphore_mem>>)
        %dma_wait3A_53 = tpu.memref_slice %arg4[%multiple_of3A_45] : memref<526336xf32, #tpu.memory_space<hbm>> -> memref<4112xf32, #tpu.memory_space<hbm>>
        %dma_wait3A_54 = tpu.memref_slice %arg4[%multiple_of3A_45] : memref<526336xf32, #tpu.memory_space<hbm>> -> memref<4112xf32, #tpu.memory_space<hbm>>
        tpu.wait_dma2 semaphore(%run_scoped3A : memref<!tpu.dma_semaphore, #tpu.memory_space<semaphore_mem>>) src(%arg8 : memref<4112xf32, #tpu.memory_space<vmem>>) dst(%dma_wait3A_54 : memref<4112xf32, #tpu.memory_space<hbm>>)
        tpu.yield
      }) : () -> ()
      %add3A_46 = arith.constant 1 : i32
      %add3A_47 = arith.addi %mul3A_13, %add3A_46 : i32
      %mul3A_48 = arith.constant 4112 : i32
      %mul3A_49 = arith.muli %add3A_47, %mul3A_48 : i32
      %multiple_of3A_50 = tpu.assume_multiple %mul3A_49, 8 : i32
      "tpu.region"() ({
        %run_scoped3A = tpu.sem_alloc : memref<!tpu.dma_semaphore, #tpu.memory_space<semaphore_mem>>
        %dma_start3A_51 = tpu.memref_slice %arg4[%multiple_of3A_50] : memref<526336xf32, #tpu.memory_space<hbm>> -> memref<4112xf32, #tpu.memory_space<hbm>>
        %dma_start3A_52 = tpu.memref_slice %arg4[%multiple_of3A_50] : memref<526336xf32, #tpu.memory_space<hbm>> -> memref<4112xf32, #tpu.memory_space<hbm>>
        tpu.enqueue_dma source(%arg9 : memref<4112xf32, #tpu.memory_space<vmem>>) target(%dma_start3A_52 : memref<4112xf32, #tpu.memory_space<hbm>>) target_semaphore(%run_scoped3A : memref<!tpu.dma_semaphore, #tpu.memory_space<semaphore_mem>>)
        %dma_wait3A_53 = tpu.memref_slice %arg4[%multiple_of3A_50] : memref<526336xf32, #tpu.memory_space<hbm>> -> memref<4112xf32, #tpu.memory_space<hbm>>
        %dma_wait3A_54 = tpu.memref_slice %arg4[%multiple_of3A_50] : memref<526336xf32, #tpu.memory_space<hbm>> -> memref<4112xf32, #tpu.memory_space<hbm>>
        tpu.wait_dma2 semaphore(%run_scoped3A : memref<!tpu.dma_semaphore, #tpu.memory_space<semaphore_mem>>) src(%arg9 : memref<4112xf32, #tpu.memory_space<vmem>>) dst(%dma_wait3A_54 : memref<4112xf32, #tpu.memory_space<hbm>>)
        tpu.yield
      }) : () -> ()
    }
    %scan3A_7 = arith.constant 2 : i32
    return
  }
}

module attributes {stable_mosaic.version = 14 : i64} {
  func.func @_tc_body(%arg0: i32, %arg1: memref<64x128xf32, #tpu.memory_space<vmem>>, %arg2: memref<8192x128xf32, #tpu.memory_space<vmem>>, %arg3: memref<32x64x128xi32, #tpu.memory_space<vmem>>) attributes {dimension_semantics = [#tpu.dimension_semantics<arbitrary>], iteration_bounds = array<i64: 13>, scalar_prefetch = 0 : i64, scratch_operands = 0 : i64, tpu.core_type = #tpu.core_type<tc>, window_params = [{pipeline_mode = #tpu.pipeline_mode<synchronous>, transform_indices = @transform_0, window_bounds = array<i64: 64, 128>}, {transform_indices = @transform_1, window_bounds = array<i64: 8192, 128>}, {transform_indices = @transform_2, window_bounds = array<i64: 32, 64, 128>}]} {
    %get3A = arith.constant 0 : index
    %get3A_0 = arith.constant 0 : index
    %get3A_1 = vector.load %arg1[%get3A, %get3A_0] : memref<64x128xf32, #tpu.memory_space<vmem>>, vector<64x128xf32>
    %get3A_2 = arith.constant 0 : index
    %get3A_3 = arith.constant 0 : index
    %get3A_4 = vector.load %arg2[%get3A_2, %get3A_3] : memref<8192x128xf32, #tpu.memory_space<vmem>>, vector<8192x128xf32>
    %dot_general3A = arith.constant dense<0.000000e+00> : vector<64x8192xf32>
    %dot_general3A_5 = tpu.matmul %get3A_1, %get3A_4, %dot_general3A {dimension_numbers = #tpu.dot_dimension_numbers<[1], [1], [0], [0], [0, 0, 1, 0], [], []>, transpose_lhs_hint = false} : vector<64x128xf32>, vector<8192x128xf32>, vector<64x8192xf32> -> vector<64x8192xf32>
    %convert_element_type3A = arith.truncf %dot_general3A_5 : vector<64x8192xf32> to vector<64x8192xbf16>
    %bitcast3A = tpu.bitcast %convert_element_type3A : vector<64x8192xbf16> -> vector<32x8192xi32>
    %reshape3A = vector.shape_cast %bitcast3A : vector<32x8192xi32> to vector<32x64x128xi32>
    %swap3A = arith.constant 0 : index
    %swap3A_6 = arith.constant 0 : index
    %swap3A_7 = arith.constant 0 : index
    %swap3A_8 = vector.load %arg3[%swap3A, %swap3A_6, %swap3A_7] : memref<32x64x128xi32, #tpu.memory_space<vmem>>, vector<32x64x128xi32>
    tpu.vector_store %arg3[%swap3A, %swap3A_6, %swap3A_7], %reshape3A {strides = array<i32>} : memref<32x64x128xi32, #tpu.memory_space<vmem>>, vector<32x64x128xi32>,
    return
  }
  func.func @transform_0(%arg0: i32) -> (i32, i32) {
    %c0_i32 = arith.constant 0 : i32
    %c0_i32_0 = arith.constant 0 : i32
    %c0_i32_1 = arith.constant 0 : i32
    return %c0_i32, %c0_i32_0 : i32, i32
  }
  func.func @transform_1(%arg0: i32) -> (i32, i32) {
    %c0_i32 = arith.constant 0 : i32
    %c0_i32_0 = arith.constant 0 : i32
    return %arg0, %c0_i32 : i32, i32
  }
  func.func @transform_2(%arg0: i32) -> (i32, i32, i32) {
    %c0_i32 = arith.constant 0 : i32
    %c0_i32_0 = arith.constant 0 : i32
    %c0_i32_1 = arith.constant 0 : i32
    return %c0_i32, %arg0, %c0_i32_0 : i32, i32, i32
  }
}

module attributes {stable_mosaic.version = 14 : i64} {
  func.func @_tc_body(%arg0: i32, %arg1: memref<128x128xf32, #tpu.memory_space<vmem>>, %arg2: memref<8192x128xf32, #tpu.memory_space<vmem>>, %arg3: memref<64x64x128xi32, #tpu.memory_space<vmem>>) attributes {dimension_semantics = [#tpu.dimension_semantics<arbitrary>], iteration_bounds = array<i64: 13>, scalar_prefetch = 0 : i64, scratch_operands = 0 : i64, tpu.core_type = #tpu.core_type<tc>, window_params = [{pipeline_mode = #tpu.pipeline_mode<synchronous>, transform_indices = @transform_0, window_bounds = array<i64: 128, 128>}, {transform_indices = @transform_1, window_bounds = array<i64: 8192, 128>}, {transform_indices = @transform_2, window_bounds = array<i64: 64, 64, 128>}]} {
    %get3A = arith.constant 0 : index
    %get3A_0 = arith.constant 0 : index
    %get3A_1 = vector.load %arg1[%get3A, %get3A_0] : memref<128x128xf32, #tpu.memory_space<vmem>>, vector<128x128xf32>
    %get3A_2 = arith.constant 0 : index
    %get3A_3 = arith.constant 0 : index
    %get3A_4 = vector.load %arg2[%get3A_2, %get3A_3] : memref<8192x128xf32, #tpu.memory_space<vmem>>, vector<8192x128xf32>
    %dot_general3A = arith.constant dense<0.000000e+00> : vector<128x8192xf32>
    %dot_general3A_5 = tpu.matmul %get3A_1, %get3A_4, %dot_general3A {dimension_numbers = #tpu.dot_dimension_numbers<[1], [1], [0], [0], [0, 0, 1, 0], [], []>, transpose_lhs_hint = false} : vector<128x128xf32>, vector<8192x128xf32>, vector<128x8192xf32> -> vector<128x8192xf32>
    %convert_element_type3A = arith.truncf %dot_general3A_5 : vector<128x8192xf32> to vector<128x8192xbf16>
    %bitcast3A = tpu.bitcast %convert_element_type3A : vector<128x8192xbf16> -> vector<64x8192xi32>
    %reshape3A = vector.shape_cast %bitcast3A : vector<64x8192xi32> to vector<64x64x128xi32>
    %swap3A = arith.constant 0 : index
    %swap3A_6 = arith.constant 0 : index
    %swap3A_7 = arith.constant 0 : index
    %swap3A_8 = vector.load %arg3[%swap3A, %swap3A_6, %swap3A_7] : memref<64x64x128xi32, #tpu.memory_space<vmem>>, vector<64x64x128xi32>
    tpu.vector_store %arg3[%swap3A, %swap3A_6, %swap3A_7], %reshape3A {strides = array<i32>} : memref<64x64x128xi32, #tpu.memory_space<vmem>>, vector<64x64x128xi32>,
    return
  }
  func.func @transform_0(%arg0: i32) -> (i32, i32) {
    %c0_i32 = arith.constant 0 : i32
    %c0_i32_0 = arith.constant 0 : i32
    %c0_i32_1 = arith.constant 0 : i32
    return %c0_i32, %c0_i32_0 : i32, i32
  }
  func.func @transform_1(%arg0: i32) -> (i32, i32) {
    %c0_i32 = arith.constant 0 : i32
    %c0_i32_0 = arith.constant 0 : i32
    return %arg0, %c0_i32 : i32, i32
  }
  func.func @transform_2(%arg0: i32) -> (i32, i32, i32) {
    %c0_i32 = arith.constant 0 : i32
    %c0_i32_0 = arith.constant 0 : i32
    %c0_i32_1 = arith.constant 0 : i32
    return %c0_i32, %arg0, %c0_i32_0 : i32, i32, i32
  }
}

</mosaic_0001>

<sc_bundles>
// kernel: kernel.11.cloned.1.call-start
scs
__scs_entry_jumppad:
0x0: {  	(pc) =	sbr.rel $0x88, $3  }
0x1: {  	(tag) =	ssettag $0x0;
	lr =	simm.s32 $0x1  }
0x2: {  	[smem:$0x3F9A] =	sst lr;
	_ =	strace $0xD0000000  }
0x3: {  	_ = 	snop  }
0x4: {  	_ = 	snop  }
0x5: {  	_ = 	snop  }
0x6: {  	_ = 	snop  }
0x7: {  	_ = 	snop  }
__scs_overlays_trampoline_lowered:
0x8: {  	[smem:$0x3FA9] =	sst s0  }
0x9: {  	[smem:$0x3FAA] =	sst s1  }
0xa: {  	[smem:$0x3FAB] =	sst s2  }
0xb: {  	[smem:$0x3FAC] =	sst s3  }
0xc: {  	[smem:$0x3FAD] =	sst s4  }
0xd: {  	[smem:$0x3FAE] =	sst s5  }
0xe: {  	[smem:$0x3FAF] =	sst s6  }
0xf: {  	[smem:$0x3FB0] =	sst s7  }
0x10: {  	[smem:$0x3FB1] =	sst s8  }
0x11: {  	[smem:$0x3FB2] =	sst s9;
	s0 =	simm.s32 @!p0 $0x0  }
0x12: {  	s1 =	sld [smem:$0x3F98];
	s0 =	simm.s32 @p0 $0x1  }
0x13: {  	[smem:$0x3FB3] =	sst s0;
	s0 =	simm.s32 @!p1 $0x0  }
0x14: {  	s2 =	sld [smem:$0x3F97];
	s0 =	simm.s32 @p1 $0x1  }
0x15: {  	[smem:$0x3FB4] =	sst s0;
	s0 =	simm.s32 @!p2 $0x0  }
0x16: {  	s3 =	sld [smem:$0x3FDB];
	s0 =	simm.s32 @p2 $0x1  }
0x17: {  	s4 =	simm.s32 $0x1BF5;
	[smem:$0x3FB6] =	sst s0  }
0x18: {  	s0 =	sld [smem:$0x3F99];
	_ =	swait.ge [sflag:s4], $0x0  }
0x19: {  	s7 =	sld [smem:$0x3F9A]  }
0x1a: {  	s8 =	sadd.s32 $0xFFFFE003, lr  }
0x1b: {  	s9 =	sadd.s32 $0xFFFFFEF7, lr;
	s5 =	simm.s32 $0xFFFFFFFF;
	p2 =	slt.u32 s8, $0xFFFFF086  }
0x1c: {  	p1 =	slt.u32 s9, $0xF7A;
	s5 =	simm.s32 @!p2 $0x0  }
0x1d: {  	s5 =	simm.s32 @p1 $0x1;
	p0 =	seq.s32 s7, s2  }
0x1e: {  	s7 =	smul.u32 @!p0 $0xF7A, s2;
	p2 =	seq.s32 @!p0 s5, $0x0  }
0x1f: {  	s9 =	smul.u32 $0xF7A, s1;
	s8 =	simm.s32 @!p0 $0x1BF5;
	p2 =	por !p2, p0  }
0x20: {  	[sflag:s8] =	ssyncset.s32 @!p0 $0xFFFFF086;
	s6 =	sadd.s32 @!p0 s3, s7;
	s7 =	simm.s32 @!p0 $0x108  }
0x21: {  	s3 =	sadd.s32 s3, s9;
	s6 =	sadd.s32 @!p0 $0x88, s6;
	s7 =	simm.s32 @p2 $0x1082  }
0x22: {  	[simem:s7], [sflag:s8] =	dma.local @!p0 [hbm:s6], $0xF7A  }
0x23: {  	s9 =	sor.u32 $0xD0000000, s2;
	s6 =	simm.s32 $0x108;
	_ =	swait.ge @!p0 [sflag:s8], $0x0  }
0x24: {  	s3 =	sadd.s32 $0x88, s3;
	s6 =	simm.s32 @!p1 $0x1082;
	[sflag:s4] =	ssyncset.s32 $0xFFFFF086  }
0x25: {  	[simem:s6], [sflag:s4] =	dma.local [hbm:s3], $0xF7A  }
0x26: {  	[smem:$0x3F9A] =	sst s1;
	(tag) =	ssettag s2;
	_ =	strace s9  }
0x27: {  	s1 =	sld [smem:$0x3FAA]  }
0x28: {  	s2 =	sld [smem:$0x3FAB]  }
0x29: {  	s4 =	sld [smem:$0x3FAD]  }
0x2a: {  	p0 =	seq.s32 s5, $0x0;
	s5 =	sld [smem:$0x3FAE]  }
0x2b: {  	s6 =	sld [smem:$0x3FAF]  }
0x2c: {  	s7 =	sld [smem:$0x3FB0]  }
0x2d: {  	s3 =	simm.s32 $0x108;
	s8 =	sld [smem:$0x3FB1]  }
0x2e: {  	s3 =	simm.s32 @!p0 $0x1082;
	s9 =	sld [smem:$0x3FB2]  }
0x2f: {  	lr =	sadd.s32 s0, s3;
	s0 =	sld [smem:$0x3FA9]  }
0x30: {  	s3 =	sld [smem:$0x3FAC]  }
0x31: {  	[smem:$0x3FB5] =	sst s10  }
0x32: {  	s10 =	sld [smem:$0x3FB3];
	_ =	sdelay $0x3  }
0x33: {  	p0 =	seq.s32 s10, $0x1;
	s10 =	sld [smem:$0x3FB5];
	_ =	sdelay $0x3  }
0x34: {  	[smem:$0x3FB5] =	sst s10  }
0x35: {  	s10 =	sld [smem:$0x3FB4];
	_ =	sdelay $0x3  }
0x36: {  	p1 =	seq.s32 s10, $0x1;
	s10 =	sld [smem:$0x3FB5];
	_ =	sdelay $0x3  }
0x37: {  	[smem:$0x3FB5] =	sst s10  }
0x38: {  	s10 =	sld [smem:$0x3FB6]  }
0x39: {  	_ = 	snop;
	(pc) =	sbr.ind lr, $3  }
0x3a: {  	_ = 	snop  }
0x3b: {  	_ = 	snop  }
0x3c: {  	p2 =	seq.s32 s10, $0x1;
	s10 =	sld [smem:$0x3FB5]  }
0x3d: {  	_ =	shalt  }
0x3e: {  	_ =	shalt  }
0x3f: {  	_ =	shalt  }
0x40: {  	_ =	shalt  }
0x41: {  	_ =	shalt  }
0x42: {  	_ =	shalt  }
0x43: {  	_ =	shalt  }
0x44: {  	_ =	shalt  }
0x45: {  	_ =	shalt  }
0x46: {  	_ =	shalt  }
0x47: {  	_ =	shalt  }
0x48: {  	_ =	shalt  }
0x49: {  	_ =	shalt  }
0x4a: {  	_ =	shalt  }
0x4b: {  	_ =	shalt  }
0x4c: {  	_ =	shalt  }
0x4d: {  	_ =	shalt  }
0x4e: {  	_ =	shalt  }
0x4f: {  	_ =	shalt  }
0x50: {  	_ =	shalt  }
0x51: {  	_ =	shalt  }
0x52: {  	_ =	shalt  }
0x53: {  	_ =	shalt  }
0x54: {  	_ =	shalt  }
0x55: {  	_ =	shalt  }
0x56: {  	_ =	shalt  }
0x57: {  	_ =	shalt  }
0x58: {  	_ =	shalt  }
0x59: {  	_ =	shalt  }
0x5a: {  	_ =	shalt  }
0x5b: {  	_ =	shalt  }
0x5c: {  	_ =	shalt  }
0x5d: {  	_ =	shalt  }
0x5e: {  	_ =	shalt  }
0x5f: {  	_ =	shalt  }
0x60: {  	_ =	shalt  }
0x61: {  	_ =	shalt  }
0x62: {  	_ =	shalt  }
0x63: {  	_ =	shalt  }
0x64: {  	_ =	shalt  }
0x65: {  	_ =	shalt  }
0x66: {  	_ =	shalt  }
0x67: {  	_ =	shalt  }
0x68: {  	_ =	shalt  }
0x69: {  	_ =	shalt  }
0x6a: {  	_ =	shalt  }
0x6b: {  	_ =	shalt  }
0x6c: {  	_ =	shalt  }
0x6d: {  	_ =	shalt  }
0x6e: {  	_ =	shalt  }
0x6f: {  	_ =	shalt  }
0x70: {  	_ =	shalt  }
0x71: {  	_ =	shalt  }
0x72: {  	_ =	shalt  }
0x73: {  	_ =	shalt  }
0x74: {  	_ =	shalt  }
0x75: {  	_ =	shalt  }
0x76: {  	_ =	shalt  }
0x77: {  	_ =	shalt  }
0x78: {  	_ =	shalt  }
0x79: {  	_ =	shalt  }
0x7a: {  	_ =	shalt  }
0x7b: {  	_ =	shalt  }
0x7c: {  	_ =	shalt  }
0x7d: {  	_ =	shalt  }
0x7e: {  	_ =	shalt  }
0x7f: {  	_ =	shalt  }
0x80: {  	_ =	shalt  }
0x81: {  	_ =	shalt  }
0x82: {  	_ =	shalt  }
0x83: {  	_ =	shalt  }
0x84: {  	_ =	shalt  }
0x85: {  	_ =	shalt  }
0x86: {  	_ =	shalt  }
0x87: {  	_ =	shalt  }
.Lfunc_end0:
.L_simem_size_0:
called_computation.1_lowered:
.L_overlay_start_0:
0x88: {  	s2 =	sld [smem:$0x3FD9]  }
0x89: {  	s3 =	sld [smem:$0x3FFE];
	_ =	sdelay $0x1  }
0x8a: {  	s1 =	srdreg.scid  }
0x8b: {  	s0 =	sand.u32 $0x1, s1  }
0x8c: {  	s15 =	sshll.u32 s0, $0xA;
	s2 =	sadd.s32 s3, s2  }
0x8d: {  	s2 =	sadd.s32 s2, s15  }
0x8e: {  	[smem:$0x3FC1] =	sst s2  }
0x8f: {  	_ = 	snop  }
0x90: {  	s2 =	sld [smem:$0x3FD0];
	_ =	sdelay $0x2  }
0x91: {  	s4 =	simm.s32 $0xC;
	s16 =	simm.s32 $0x10  }
0x92: {  	[smem:s16], [sflag:s4] =	dma.local [hbm:s2], $0x1  }
0x93: {  	_ =	swait.eq [sflag:s4], $0x1  }
0x94: {  	[sflag:s4] =	ssyncset.done $0x0  }
0x95: {  	s17 =	sld [smem:$0x12];
	[sflag:s4] =	ssyncadd.s32 $0xFFFFFFFF  }
0x96: {  	s18 =	sld [smem:$0x13];
	(tm) =	ssettm $0x1  }
0x97: {  	s19 =	sld [smem:$0x3FFB];
	_ =	sdelay $0x3  }
0x98: {  	_ =	strace s19  }
0x99: {  	s2 =	sld [smem:$0x3FFC];
	_ =	sdelay $0x3  }
0x9a: {  	_ =	strace s2  }
0x9b: {  	s2 =	sld [smem:$0x3FFD];
	_ =	sdelay $0x3  }
0x9c: {  	_ =	strace s2  }
0x9d: {  	_ =	strace $0x8FFFFFFF  }
0x9e: {  	s20 =	sld [smem:$0x3FDB];
	_ =	sdelay $0x1  }
0x9f: {  	s5 =	simm.s32 $_scs_section_size  }
0xa0: {  	s6 =	simm.s32 $_size__tile_overlayer_lowered;
	s7 =	simm.s32 $_tile_overlayer_lowered  }
0xa1: {  	s8 =	simm.s32 $0x1BFF;
	s21 =	sshll.u32 s7, $0x1;
	s5 =	sadd.s32 s5, s20  }
0xa2: {  	s22 =	simm.s32 $0x0;
	s6 =	sshll.u32 s6, $0x1;
	s7 =	sadd.s32 s21, s5  }
0xa3: {  	[timem:s22], [sflag:s8] =	dma.local [hbm:s7], s6  }
0xa4: {  	_ =	swait.ge [sflag:s8], s6  }
0xa5: {  	s6 =	ssub.s32 $0x0, s6;
	[sflag:s8] =	ssyncset.done $0x0  }
0xa6: {  	[sflag:s8] =	ssyncadd.s32 s6;
	_ =	sdelay $0x1  }
0xa7: {  	s23 =	simm.s32 $0x1B8B  }
0xa8: {  	_ =	swait.ge [sflag:s23], $0x1  }
0xa9: {  	[sflag:s23] =	ssyncset.done $0x0  }
0xaa: {  	[sflag:s23] =	ssyncadd.s32 $0xFFFFFFFF  }
0xab: {  	s6 =	sld [smem:$0x0]  }
0xac: {  	s7 =	sand.u32 $0xFFFFFFFE, s1  }
0xad: {  	p0 =	sne.s32 s1, s7  }
0xae: {  	s7 =	sshll.u32 @p0 s7, $0xE  }
0xaf: {  	s7 =	sadd.s32 @p0 $0x11B8D, s7;
	s8 =	sshll.u32 @p0 s6, $0x11  }
0xb0: {  	s7 =	sor.u32 @p0 s8, s7  }
0xb1: {  	[sflag:s7] =	ssyncadd.remote.s32 @p0 $0x1;
	_ =	sdelay $0x1  }
0xb2: {  	s7 =	simm.s32 @p0 $0x1B8D  }
0xb3: {  	_ =	swait.eq @p0 [sflag:s7], $0x1  }
0xb4: {  	[sflag:s7] =	ssyncadd.s32 @p0 $0xFFFFFFFF  }
0xb5: {  	s8 =	sshll.u32 @!p0 s1, $0xE  }
0xb6: {  	s8 =	sor.u32 @!p0 $0x4000, s8;
	s7 =	simm.s32 @!p0 $0x1B8D  }
0xb7: {  	s6 =	sshll.u32 @!p0 s6, $0x11;
	s8 =	sadd.s32 @!p0 $0x11B8D, s8;
	_ =	swait.eq @!p0 [sflag:s7], $0x1  }
0xb8: {  	s6 =	sor.u32 @!p0 s6, s8;
	[sflag:s7] =	ssyncadd.s32 @!p0 $0xFFFFFFFF  }
0xb9: {  	s25 =	simm.s32 $0x1B8E;
	s24 =	sld [smem:$0x3FFE];
	[sflag:s6] =	ssyncadd.remote.s32 @!p0 $0x1  }
0xba: {  	s26 =	simm.s32 $execute0_lowered;
	[smem:$0x3FD2] =	sst s25  }
0xbb: {  	s7 =	sshll.u32 s26, $0x1;
	_ =	strace $0x80000049;
	[dreg:$0x1] =	wrdreg $0xFFFFFFFF  }
0xbc: {  	s28 =	simm.s32 $_size_execute0_lowered;
	s5 =	sadd.s32 s5, s7;
	[dreg:$0x0] =	wrdreg $0x0  }
0xbd: {  	s7 =	sshll.u32 s28, $0x1;
	[dreg:$0x2] =	wrdreg s5  }
0xbe: {  	[dreg:$0x3] =	wrdreg s7  }
0xbf: {  	[dreg:$0x4] =	wrdreg $0xC0  }
0xc0: {  	_ =	task [dreg:s22], $0x5FFFF  }
0xc1: {  	[dreg:$0x1] =	wrdreg $0xFFFFFFFF  }
0xc2: {  	[dreg:$0x0] =	wrdreg $0x60  }
0xc3: {  	[dreg:$0x2] =	wrdreg s24  }
0xc4: {  	[dreg:$0x3] =	wrdreg s18  }
0xc5: {  	[dreg:$0x4] =	wrdreg s17  }
0xc6: {  	[dreg:$0x5] =	wrdreg $0xA  }
0xc7: {  	_ =	task.clear_ibuf [dreg:s22], $0x6FFFF;
	_ =	strace $0x90000049  }
0xc8: {  	s29 =	simm.s32 $0xA;
	_ =	strace $0x8000004B  }
0xc9: {  	_ =	swait.ge [sflag:s29], $0x1  }
0xca: {  	[sflag:s29] =	ssyncadd.s32 $0xFFFFFFFF  }
0xcb: {  	_ =	strace $0x9000004B  }
0xcc: {  	_ =	sfence  }
0xcd: {  	s30 =	sld [smem:$0x0];
	_ =	sdelay $0x2  }
0xce: {  	s31 =	sshll.u32 s1, $0xD;
	s1 =	sshrl.u32 s1, $0x2  }
0xcf: {  	s4 =	sand.u32 $0x4000, s31;
	s1 =	sadd.s32 s1, s30  }
0xd0: {  	s0 =	sor.u32 s4, s0;
	s1 =	sshll.u32 s1, $0x11  }
0xd1: {  	s0 =	sor.u32 s1, s0  }
0xd2: {  	s0 =	sadd.s32 $0x8F2B, s0  }
0xd3: {  	[sflag:s0] =	ssyncadd.remote.s32 $0x1  }
0xd4: {  	_ =	sfence.sel $0xFFFF  }
0xd5: {  	[dreg:$0x0] =	wrdreg $0xFFFFFFFF;
	(pc) =	sbr.abs _section_cstart, $3  }
0xd6: {  	[dreg:$0x1] =	wrdreg $0xFFFFFFFF  }
0xd7: {  	_ =	task.clear_ibuf [dreg:s22], $0x2FFFF;
	_ =	strace $0x9FFFFFFF  }
0xd8: {  	(tm) =	ssettm $0x7FFFFFFF  }
0xd9: {  	_ =	shalt  }
tec
execute0_lowered:
.L_overlay_start_1:
0x0: {  	(tag) =	ssettag $0x1  }
0x1: {  	s3 =	rddreg [dreg:$0x0]  }
0x2: {  	s1 =	srdreg.scid;
	s5 =	rddreg [dreg:$0x1]  }
0x3: {  	s0 =	stileid.u32;
	s7 =	rddreg [dreg:$0x2]  }
0x4: {  	s2 =	simm.s32 $0x0;
	s10 =	simm.s32 $0x1B080;
	s11 =	simm.s32 $0x1  }
0x5: {  	s12 =	simm.s32 $0x1C100;
	s4 =	sand.u32 $0x1, s1;
	s30 =	sshll.u32 s0, $0x1  }
0x6: {  	s13 =	simm.s32 $0x2;
	s14 =	simm.s32 $0x1D180;
	s6 =	sor.u32 s4, s30  }
0x7: {  	s15 =	simm.s32 $0x0;
	s1 =	rddreg [dreg:$0x3];
	s8 =	smul.u32 $0x3400, s6  }
0x8: {  	[smem:$0x7FF] =	sst s2;
	s4 =	ssub.s32 $0x2, s4;
	s6 =	smul.u32 $0x404, s6  }
0x9: {  	_ =	strace $0x8000004A;
	s31 =	sshrl.u32 s4, $0x1;
	s3 =	sadd.s32 s8, s3  }
0xa: {  	s8 =	ssub.s32 s4, s31;
	s9 =	sadd.s32 $0x202, s6;
	s4 =	sadd.s32 s5, s6  }
0xb: {  	s6 =	sadd.s32 s7, s6;
	s3 =	sadd.s32 $0xE1800, s3;
	s5 =	sadd.s32 s5, s9  }
0xc: {  	s7 =	sadd.s32 s7, s9;
	s8 =	smax.u32 s8, $0x1;
	s9 =	simm.s32 $0x1A000  }
.LBB2_1:
0xd: {  	[tilespmem:s2], [sflag:$0x1] =	stream.linear.gather [hbm4b:s3+s2], $0x1A000, $0x38;
	[tilespmem:$0x1E200] =	vst v63  }
0xe: {  	_ = 	snop  }
0xf: {  	[tilespmem:s9], [sflag:$0x1] =	stream.linear.gather [hbm4b:s4+s2], $0x1010, $0x38;
	[tilespmem:$0x1E200] =	vst v63  }
0x10: {  	_ = 	snop  }
0x11: {  	[tilespmem:s10], [sflag:$0x1] =	stream.linear.gather [hbm4b:s5+s2], $0x1010, $0x38;
	[tilespmem:$0x1E200] =	vst v63  }
0x12: {  	_ =	swait.ge [sflag:s11], $0x1010  }
0x13: {  	[sflag:s11] =	ssyncset.done $0x0  }
0x14: {  	[sflag:s11] =	ssyncadd.s32 $0xFFFFEFF0  }
0x15: {  	_ =	swait.ge [sflag:s11], $0x1010  }
0x16: {  	[sflag:s11] =	ssyncset.done $0x0  }
0x17: {  	[sflag:s11] =	ssyncadd.s32 $0xFFFFEFF0  }
0x18: {  	_ =	swait.ge [sflag:s11], $0x1A000  }
0x19: {  	[sflag:s11] =	ssyncset.done $0x0  }
0x1a: {  	s16 =	simm.s32 $0x0;
	[sflag:s11] =	ssyncadd.s32 $0xFFFE6000  }
0x1b: {  	v0 =	vld [tilespmem:s16+$0x1A000];
	_ =	sdelay $0x7  }
0x1c: {  	v0 =	vld.idx.msk [tilespmem:v0+s2+$0x0], $0xffff  }
0x1d: {  	v1 =	vld [tilespmem:s16+$0x1B080];
	_ =	sdelay $0x3  }
0x1e: {  	v0 =	vshll.u32 v0, $0x10  }
0x1f: {  	v0 =	vmul.f32 $1.428571410e+01, v0;
	_ =	sdelay $0x1  }
0x20: {  	[tilespmem:s16+$0x1C100] =	vst v0  }
0x21: {  	s18 =	simm.s32 $0x10;
	s17 =	simm.s32 $0x80;
	v0 =	vld.idx.msk [tilespmem:v1+s2+$0x0], $0xffff  }
.LBB2_2:
0x22: {  	p0 =	sne.s32 s17, $0x4000;
	v1 =	vld [tilespmem:s18+$0x1A000];
	_ =	sdelay $0x3  }
0x23: {  	v0 =	vand.u32 $0xFFFF0000, v0  }
0x24: {  	v0 =	vmul.f32 $1.428571410e+01, v0;
	_ =	sdelay $0x1  }
0x25: {  	[tilespmem:s16+$0x1D180] =	vst v0;
	s16 =	smov.u32 s18  }
0x26: {  	v0 =	vld.idx.msk [tilespmem:v1+s2+$0x0], $0xffff;
	_ =	sdelay $0x1  }
0x27: {  	v1 =	vld [tilespmem:s16+$0x1B080];
	_ =	sdelay $0x3  }
0x28: {  	v0 =	vshll.u32 v0, $0x10  }
.Ltmp0:
0x29: {  	v0 =	vmul.f32 $1.428571410e+01, v0;
	(pc) =	sbr.rel @p0 .LBB2_2-.Ltmp0, $4  }
0x2a: {  	_ = 	snop  }
0x2b: {  	[tilespmem:s16+$0x1C100] =	vst v0  }
0x2c: {  	v0 =	vld.idx.msk [tilespmem:v1+s2+$0x0], $0xffff  }
0x2d: {  	s18 =	sshra.s32 s17, $0x2;
	s17 =	sadd.s32 $0x40, s17  }
0x2e: {  	v1 =	vld [tilespmem:s18+$0x1A000];
	_ =	sdelay $0x3  }
0x2f: {  	v0 =	vand.u32 $0xFFFF0000, v0  }
0x30: {  	v0 =	vmul.f32 $1.428571410e+01, v0;
	_ =	sdelay $0x1  }
0x31: {  	[tilespmem:s16+$0x1D180] =	vst v0  }
0x32: {  	v0 =	vld.idx.msk [tilespmem:v1+s2+$0x0], $0xffff  }
0x33: {  	v63 =	vld [tilespmem:s18+$0x1B080];
	_ =	sdelay $0x3  }
0x34: {  	v0 =	vshll.u32 v0, $0x10  }
0x35: {  	v0 =	vmul.f32 $1.428571410e+01, v0;
	_ =	sdelay $0x1  }
0x36: {  	[tilespmem:s18+$0x1C100] =	vst v0  }
0x37: {  	v0 =	vld.idx.msk [tilespmem:v63+s2+$0x0], $0xffff;
	_ =	sdelay $0x4  }
0x38: {  	v0 =	vand.u32 $0xFFFF0000, v0  }
0x39: {  	v0 =	vmul.f32 $1.428571410e+01, v0;
	_ =	sdelay $0x1  }
0x3a: {  	[tilespmem:s18+$0x1D180] =	vst v0  }
0x3b: {  	[hbm4b:s6+s2] =	stream.linear.scatter [tilespmem:s12], [sflag:$0x2], $0x1010, $0x38;
	[tilespmem:$0x1E200] =	vst v63  }
0x3c: {  	s15 =	sadd.s32 $0x1, s15;
	_ =	swait.ge [sflag:s13], $0x1010  }
0x3d: {  	p0 =	sne.s32 s15, s8;
	[sflag:s13] =	ssyncset.done $0x0  }
.Ltmp1:
0x3e: {  	[sflag:s13] =	ssyncadd.s32 $0xFFFFEFF0;
	(pc) =	sbr.rel @p0 .LBB2_1-.Ltmp1, $4  }
0x3f: {  	[hbm4b:s7+s2] =	stream.linear.scatter [tilespmem:s14], [sflag:$0x2], $0x1010, $0x38;
	[tilespmem:$0x1E200] =	vst v63  }
0x40: {  	_ =	swait.ge [sflag:s13], $0x1010  }
0x41: {  	[sflag:s13] =	ssyncset.done $0x0  }
0x42: {  	[sflag:s13] =	ssyncadd.s32 $0xFFFFEFF0  }
0x43: {  	_ =	sfence.sel $0x180000  }
0x44: {  	[bflag:$0x0] =	sbarrier.arrive $0xFFFF  }
0x45: {  	p0 =	sne.s32 s0, $0x0;
	_ =	strace $0x9000004A  }
0x46: {  	s0 =	sadd.s32 @!p0 $0x100000, s1;
	[bflag:$0x2] =	sbarrier.arrive $0xFFFF  }
0x47: {  	[sflag:s0] =	ssyncadd.tile.s32 @!p0 $0x1;
	_ =	shalt  }
.Lfunc_end2:
_tile_overlayer_lowered:
.L_overlay_start_2:
0x48: {  	(tag) =	ssettag $0x2  }
0x49: {  	s0 =	rddreg [dreg:$0x0];
	s2 =	stileid.u32  }
0x4a: {  	s1 =	rddreg [dreg:$0x1];
	p0 =	sne.s32 s2, $0x0  }
0x4b: {  	s3 =	rddreg [dreg:$0x2];
	[bflag:$0x3] =	sbarrier.arrive $0xFFFF;
	s2 =	simm.s32 @!p0 $0x1C02  }
0x4c: {  	[timem:s3], [sflag:s2] =	dma.local @!p0 [hbm:s0], s1  }
0x4d: {  	s0 =	simm.s32 @!p0 $0x2  }
0x4e: {  	_ =	swait.ge @!p0 [sflag:s0], s1  }
0x4f: {  	s1 =	ssub.s32 @!p0 $0x0, s1;
	[sflag:s0] =	ssyncset.done @!p0 $0x0  }
0x50: {  	[sflag:s0] =	ssyncadd.s32 @!p0 s1  }
0x51: {  	[bflag:$0x3] =	sbarrier.arrive $0xFFFF  }
0x52: {  	_ =	shalt  }

// kernel: kernel.14.cloned.1.call-start
scs
__scs_entry_jumppad:
0x0: {  	(pc) =	sbr.rel $0x88, $3  }
0x1: {  	(tag) =	ssettag $0x0;
	lr =	simm.s32 $0x1  }
0x2: {  	[smem:$0x3F9A] =	sst lr;
	_ =	strace $0xD0000000  }
0x3: {  	_ = 	snop  }
0x4: {  	_ = 	snop  }
0x5: {  	_ = 	snop  }
0x6: {  	_ = 	snop  }
0x7: {  	_ = 	snop  }
__scs_overlays_trampoline_lowered:
0x8: {  	[smem:$0x3FA9] =	sst s0  }
0x9: {  	[smem:$0x3FAA] =	sst s1  }
0xa: {  	[smem:$0x3FAB] =	sst s2  }
0xb: {  	[smem:$0x3FAC] =	sst s3  }
0xc: {  	[smem:$0x3FAD] =	sst s4  }
0xd: {  	[smem:$0x3FAE] =	sst s5  }
0xe: {  	[smem:$0x3FAF] =	sst s6  }
0xf: {  	[smem:$0x3FB0] =	sst s7  }
0x10: {  	[smem:$0x3FB1] =	sst s8  }
0x11: {  	[smem:$0x3FB2] =	sst s9;
	s0 =	simm.s32 @!p0 $0x0  }
0x12: {  	s1 =	sld [smem:$0x3F98];
	s0 =	simm.s32 @p0 $0x1  }
0x13: {  	[smem:$0x3FB3] =	sst s0;
	s0 =	simm.s32 @!p1 $0x0  }
0x14: {  	s2 =	sld [smem:$0x3F97];
	s0 =	simm.s32 @p1 $0x1  }
0x15: {  	[smem:$0x3FB4] =	sst s0;
	s0 =	simm.s32 @!p2 $0x0  }
0x16: {  	s3 =	sld [smem:$0x3FDB];
	s0 =	simm.s32 @p2 $0x1  }
0x17: {  	s4 =	simm.s32 $0x1BF5;
	[smem:$0x3FB6] =	sst s0  }
0x18: {  	s0 =	sld [smem:$0x3F99];
	_ =	swait.ge [sflag:s4], $0x0  }
0x19: {  	s7 =	sld [smem:$0x3F9A]  }
0x1a: {  	s8 =	sadd.s32 $0xFFFFE003, lr  }
0x1b: {  	s9 =	sadd.s32 $0xFFFFFEF7, lr;
	s5 =	simm.s32 $0xFFFFFFFF;
	p2 =	slt.u32 s8, $0xFFFFF086  }
0x1c: {  	p1 =	slt.u32 s9, $0xF7A;
	s5 =	simm.s32 @!p2 $0x0  }
0x1d: {  	s5 =	simm.s32 @p1 $0x1;
	p0 =	seq.s32 s7, s2  }
0x1e: {  	s7 =	smul.u32 @!p0 $0xF7A, s2;
	p2 =	seq.s32 @!p0 s5, $0x0  }
0x1f: {  	s9 =	smul.u32 $0xF7A, s1;
	s8 =	simm.s32 @!p0 $0x1BF5;
	p2 =	por !p2, p0  }
0x20: {  	[sflag:s8] =	ssyncset.s32 @!p0 $0xFFFFF086;
	s6 =	sadd.s32 @!p0 s3, s7;
	s7 =	simm.s32 @!p0 $0x108  }
0x21: {  	s3 =	sadd.s32 s3, s9;
	s6 =	sadd.s32 @!p0 $0x88, s6;
	s7 =	simm.s32 @p2 $0x1082  }
0x22: {  	[simem:s7], [sflag:s8] =	dma.local @!p0 [hbm:s6], $0xF7A  }
0x23: {  	s9 =	sor.u32 $0xD0000000, s2;
	s6 =	simm.s32 $0x108;
	_ =	swait.ge @!p0 [sflag:s8], $0x0  }
0x24: {  	s3 =	sadd.s32 $0x88, s3;
	s6 =	simm.s32 @!p1 $0x1082;
	[sflag:s4] =	ssyncset.s32 $0xFFFFF086  }
0x25: {  	[simem:s6], [sflag:s4] =	dma.local [hbm:s3], $0xF7A  }
0x26: {  	[smem:$0x3F9A] =	sst s1;
	(tag) =	ssettag s2;
	_ =	strace s9  }
0x27: {  	s1 =	sld [smem:$0x3FAA]  }
0x28: {  	s2 =	sld [smem:$0x3FAB]  }
0x29: {  	s4 =	sld [smem:$0x3FAD]  }
0x2a: {  	p0 =	seq.s32 s5, $0x0;
	s5 =	sld [smem:$0x3FAE]  }
0x2b: {  	s6 =	sld [smem:$0x3FAF]  }
0x2c: {  	s7 =	sld [smem:$0x3FB0]  }
0x2d: {  	s3 =	simm.s32 $0x108;
	s8 =	sld [smem:$0x3FB1]  }
0x2e: {  	s3 =	simm.s32 @!p0 $0x1082;
	s9 =	sld [smem:$0x3FB2]  }
0x2f: {  	lr =	sadd.s32 s0, s3;
	s0 =	sld [smem:$0x3FA9]  }
0x30: {  	s3 =	sld [smem:$0x3FAC]  }
0x31: {  	[smem:$0x3FB5] =	sst s10  }
0x32: {  	s10 =	sld [smem:$0x3FB3];
	_ =	sdelay $0x3  }
0x33: {  	p0 =	seq.s32 s10, $0x1;
	s10 =	sld [smem:$0x3FB5];
	_ =	sdelay $0x3  }
0x34: {  	[smem:$0x3FB5] =	sst s10  }
0x35: {  	s10 =	sld [smem:$0x3FB4];
	_ =	sdelay $0x3  }
0x36: {  	p1 =	seq.s32 s10, $0x1;
	s10 =	sld [smem:$0x3FB5];
	_ =	sdelay $0x3  }
0x37: {  	[smem:$0x3FB5] =	sst s10  }
0x38: {  	s10 =	sld [smem:$0x3FB6]  }
0x39: {  	_ = 	snop;
	(pc) =	sbr.ind lr, $3  }
0x3a: {  	_ = 	snop  }
0x3b: {  	_ = 	snop  }
0x3c: {  	p2 =	seq.s32 s10, $0x1;
	s10 =	sld [smem:$0x3FB5]  }
0x3d: {  	_ =	shalt  }
0x3e: {  	_ =	shalt  }
0x3f: {  	_ =	shalt  }
0x40: {  	_ =	shalt  }
0x41: {  	_ =	shalt  }
0x42: {  	_ =	shalt  }
0x43: {  	_ =	shalt  }
0x44: {  	_ =	shalt  }
0x45: {  	_ =	shalt  }
0x46: {  	_ =	shalt  }
0x47: {  	_ =	shalt  }
0x48: {  	_ =	shalt  }
0x49: {  	_ =	shalt  }
0x4a: {  	_ =	shalt  }
0x4b: {  	_ =	shalt  }
0x4c: {  	_ =	shalt  }
0x4d: {  	_ =	shalt  }
0x4e: {  	_ =	shalt  }
0x4f: {  	_ =	shalt  }
0x50: {  	_ =	shalt  }
0x51: {  	_ =	shalt  }
0x52: {  	_ =	shalt  }
0x53: {  	_ =	shalt  }
0x54: {  	_ =	shalt  }
0x55: {  	_ =	shalt  }
0x56: {  	_ =	shalt  }
0x57: {  	_ =	shalt  }
0x58: {  	_ =	shalt  }
0x59: {  	_ =	shalt  }
0x5a: {  	_ =	shalt  }
0x5b: {  	_ =	shalt  }
0x5c: {  	_ =	shalt  }
0x5d: {  	_ =	shalt  }
0x5e: {  	_ =	shalt  }
0x5f: {  	_ =	shalt  }
0x60: {  	_ =	shalt  }
0x61: {  	_ =	shalt  }
0x62: {  	_ =	shalt  }
0x63: {  	_ =	shalt  }
0x64: {  	_ =	shalt  }
0x65: {  	_ =	shalt  }
0x66: {  	_ =	shalt  }
0x67: {  	_ =	shalt  }
0x68: {  	_ =	shalt  }
0x69: {  	_ =	shalt  }
0x6a: {  	_ =	shalt  }
0x6b: {  	_ =	shalt  }
0x6c: {  	_ =	shalt  }
0x6d: {  	_ =	shalt  }
0x6e: {  	_ =	shalt  }
0x6f: {  	_ =	shalt  }
0x70: {  	_ =	shalt  }
0x71: {  	_ =	shalt  }
0x72: {  	_ =	shalt  }
0x73: {  	_ =	shalt  }
0x74: {  	_ =	shalt  }
0x75: {  	_ =	shalt  }
0x76: {  	_ =	shalt  }
0x77: {  	_ =	shalt  }
0x78: {  	_ =	shalt  }
0x79: {  	_ =	shalt  }
0x7a: {  	_ =	shalt  }
0x7b: {  	_ =	shalt  }
0x7c: {  	_ =	shalt  }
0x7d: {  	_ =	shalt  }
0x7e: {  	_ =	shalt  }
0x7f: {  	_ =	shalt  }
0x80: {  	_ =	shalt  }
0x81: {  	_ =	shalt  }
0x82: {  	_ =	shalt  }
0x83: {  	_ =	shalt  }
0x84: {  	_ =	shalt  }
0x85: {  	_ =	shalt  }
0x86: {  	_ =	shalt  }
0x87: {  	_ =	shalt  }
.Lfunc_end0:
.L_simem_size_0:
called_computation.2_lowered:
.L_overlay_start_0:
0x88: {  	s2 =	sld [smem:$0x3FD9]  }
0x89: {  	s3 =	sld [smem:$0x3FFE];
	_ =	sdelay $0x1  }
0x8a: {  	s1 =	srdreg.scid  }
0x8b: {  	s0 =	sand.u32 $0x1, s1  }
0x8c: {  	s15 =	sshll.u32 s0, $0xA;
	s2 =	sadd.s32 s3, s2  }
0x8d: {  	s2 =	sadd.s32 s2, s15  }
0x8e: {  	[smem:$0x3FC1] =	sst s2  }
0x8f: {  	_ = 	snop  }
0x90: {  	s2 =	sld [smem:$0x3FD0];
	_ =	sdelay $0x2  }
0x91: {  	s16 =	simm.s32 $0xC;
	s4 =	simm.s32 $0x10  }
0x92: {  	[smem:s4], [sflag:s16] =	dma.local [hbm:s2], $0x1  }
0x93: {  	_ =	swait.eq [sflag:s16], $0x1  }
0x94: {  	[sflag:s16] =	ssyncset.done $0x0  }
0x95: {  	[sflag:s16] =	ssyncadd.s32 $0xFFFFFFFF  }
0x96: {  	s17 =	sld [smem:$0x13];
	(tm) =	ssettm $0x1  }
0x97: {  	s18 =	sld [smem:$0x3FFB];
	_ =	sdelay $0x3  }
0x98: {  	_ =	strace s18  }
0x99: {  	s2 =	sld [smem:$0x3FFC];
	_ =	sdelay $0x3  }
0x9a: {  	_ =	strace s2  }
0x9b: {  	s2 =	sld [smem:$0x3FFD];
	_ =	sdelay $0x3  }
0x9c: {  	_ =	strace s2  }
0x9d: {  	_ =	strace $0x8FFFFFFF  }
0x9e: {  	s19 =	sld [smem:$0x3FDB];
	_ =	sdelay $0x1  }
0x9f: {  	s20 =	simm.s32 $_scs_section_size  }
0xa0: {  	s5 =	simm.s32 $_size__tile_overlayer_lowered;
	s6 =	simm.s32 $_tile_overlayer_lowered  }
0xa1: {  	s7 =	simm.s32 $0x1BFF;
	s21 =	sshll.u32 s6, $0x1;
	s4 =	sadd.s32 s20, s19  }
0xa2: {  	s22 =	simm.s32 $0x0;
	s5 =	sshll.u32 s5, $0x1;
	s6 =	sadd.s32 s21, s4  }
0xa3: {  	[timem:s22], [sflag:s7] =	dma.local [hbm:s6], s5  }
0xa4: {  	_ =	swait.ge [sflag:s7], s5  }
0xa5: {  	s5 =	ssub.s32 $0x0, s5;
	[sflag:s7] =	ssyncset.done $0x0  }
0xa6: {  	[sflag:s7] =	ssyncadd.s32 s5;
	_ =	sdelay $0x1  }
0xa7: {  	s23 =	simm.s32 $0x1B8B  }
0xa8: {  	_ =	swait.ge [sflag:s23], $0x1  }
0xa9: {  	[sflag:s23] =	ssyncset.done $0x0  }
0xaa: {  	[sflag:s23] =	ssyncadd.s32 $0xFFFFFFFF  }
0xab: {  	s5 =	sld [smem:$0x0]  }
0xac: {  	s6 =	sand.u32 $0xFFFFFFFE, s1  }
0xad: {  	p0 =	sne.s32 s1, s6  }
0xae: {  	s6 =	sshll.u32 @p0 s6, $0xE  }
0xaf: {  	s6 =	sadd.s32 @p0 $0x11B8D, s6;
	s7 =	sshll.u32 @p0 s5, $0x11  }
0xb0: {  	s6 =	sor.u32 @p0 s7, s6  }
0xb1: {  	[sflag:s6] =	ssyncadd.remote.s32 @p0 $0x1;
	_ =	sdelay $0x1  }
0xb2: {  	s6 =	simm.s32 @p0 $0x1B8D  }
0xb3: {  	_ =	swait.eq @p0 [sflag:s6], $0x1  }
0xb4: {  	[sflag:s6] =	ssyncadd.s32 @p0 $0xFFFFFFFF  }
0xb5: {  	s7 =	sshll.u32 @!p0 s1, $0xE  }
0xb6: {  	s7 =	sor.u32 @!p0 $0x4000, s7;
	s6 =	simm.s32 @!p0 $0x1B8D  }
0xb7: {  	s5 =	sshll.u32 @!p0 s5, $0x11;
	s7 =	sadd.s32 @!p0 $0x11B8D, s7;
	_ =	swait.eq @!p0 [sflag:s6], $0x1  }
0xb8: {  	s5 =	sor.u32 @!p0 s5, s7;
	[sflag:s6] =	ssyncadd.s32 @!p0 $0xFFFFFFFF  }
0xb9: {  	s25 =	simm.s32 $0x1B8E;
	s24 =	sld [smem:$0x3FFE];
	[sflag:s5] =	ssyncadd.remote.s32 @!p0 $0x1  }
0xba: {  	s26 =	simm.s32 $execute0_lowered;
	[smem:$0x3FD2] =	sst s25  }
0xbb: {  	s6 =	sshll.u32 s26, $0x1;
	_ =	strace $0x8000004C;
	[dreg:$0x1] =	wrdreg $0xFFFFFFFF  }
0xbc: {  	s28 =	simm.s32 $_size_execute0_lowered;
	s4 =	sadd.s32 s4, s6;
	[dreg:$0x0] =	wrdreg $0x0  }
0xbd: {  	s6 =	sshll.u32 s28, $0x1;
	[dreg:$0x2] =	wrdreg s4  }
0xbe: {  	[dreg:$0x3] =	wrdreg s6  }
0xbf: {  	[dreg:$0x4] =	wrdreg $0xC0  }
0xc0: {  	_ =	task [dreg:s22], $0x5FFFF  }
0xc1: {  	[dreg:$0x1] =	wrdreg $0xFFFFFFFF  }
0xc2: {  	[dreg:$0x0] =	wrdreg $0x60  }
0xc3: {  	[dreg:$0x2] =	wrdreg s24  }
0xc4: {  	[dreg:$0x3] =	wrdreg s17  }
0xc5: {  	[dreg:$0x4] =	wrdreg $0xB  }
0xc6: {  	_ =	task.clear_ibuf [dreg:s22], $0x5FFFF;
	_ =	strace $0x9000004C  }
0xc7: {  	s29 =	simm.s32 $0xB;
	_ =	strace $0x8000004E  }
0xc8: {  	_ =	swait.ge [sflag:s29], $0x1  }
0xc9: {  	[sflag:s29] =	ssyncadd.s32 $0xFFFFFFFF  }
0xca: {  	_ =	strace $0x9000004E  }
0xcb: {  	_ =	sfence  }
0xcc: {  	s30 =	sld [smem:$0x0];
	_ =	sdelay $0x2  }
0xcd: {  	s31 =	sshll.u32 s1, $0xD;
	s1 =	sshrl.u32 s1, $0x2  }
0xce: {  	s4 =	sand.u32 $0x4000, s31;
	s1 =	sadd.s32 s1, s30  }
0xcf: {  	s0 =	sor.u32 s4, s0;
	s1 =	sshll.u32 s1, $0x11  }
0xd0: {  	s0 =	sor.u32 s1, s0  }
0xd1: {  	s0 =	sadd.s32 $0x8F2B, s0  }
0xd2: {  	[sflag:s0] =	ssyncadd.remote.s32 $0x1  }
0xd3: {  	_ =	sfence.sel $0xFFFF  }
0xd4: {  	[dreg:$0x0] =	wrdreg $0xFFFFFFFF;
	(pc) =	sbr.abs _section_cstart, $3  }
0xd5: {  	[dreg:$0x1] =	wrdreg $0xFFFFFFFF  }
0xd6: {  	_ =	task.clear_ibuf [dreg:s22], $0x2FFFF;
	_ =	strace $0x9FFFFFFF  }
0xd7: {  	(tm) =	ssettm $0x7FFFFFFF  }
tec
execute0_lowered:
.L_overlay_start_1:
0x0: {  	(tag) =	ssettag $0x1  }
0x1: {  	s3 =	rddreg [dreg:$0x0];
	s1 =	srdreg.scid  }
0x2: {  	s0 =	stileid.u32;
	s5 =	rddreg [dreg:$0x1];
	s2 =	simm.s32 $0x0  }
0x3: {  	s10 =	simm.s32 $0x1B080;
	s11 =	simm.s32 $0x1;
	s12 =	simm.s32 $0x1C100  }
0x4: {  	s13 =	simm.s32 $0x2;
	s4 =	sand.u32 $0x1, s1;
	s6 =	sshll.u32 s0, $0x1  }
0x5: {  	s14 =	simm.s32 $0x1D180;
	s15 =	simm.s32 $0x0;
	s6 =	sor.u32 s4, s6  }
0x6: {  	s1 =	rddreg [dreg:$0x2];
	s4 =	ssub.s32 $0x2, s4;
	s7 =	smul.u32 $0x3400, s6  }
0x7: {  	[smem:$0x7FF] =	sst s2;
	s6 =	smul.u32 $0x404, s6;
	s30 =	sshrl.u32 s4, $0x1  }
0x8: {  	s8 =	sadd.s32 $0x1B1800, s3;
	_ =	strace $0x8000004D;
	s9 =	ssub.s32 s4, s30  }
0x9: {  	s7 =	sadd.s32 s7, s3;
	s31 =	sadd.s32 $0x202, s6;
	s4 =	sadd.s32 s5, s6  }
0xa: {  	s6 =	sadd.s32 s8, s6;
	s3 =	sadd.s32 $0x149800, s7;
	s5 =	sadd.s32 s5, s31  }
0xb: {  	s7 =	sadd.s32 s8, s31;
	s8 =	smax.u32 s9, $0x1;
	s9 =	simm.s32 $0x1A000  }
.LBB2_1:
0xc: {  	[tilespmem:s2], [sflag:$0x1] =	stream.linear.gather [hbm4b:s3+s2], $0x1A000, $0x38;
	[tilespmem:$0x1E200] =	vst v63  }
0xd: {  	_ = 	snop  }
0xe: {  	[tilespmem:s9], [sflag:$0x1] =	stream.linear.gather [hbm4b:s4+s2], $0x1010, $0x38;
	[tilespmem:$0x1E200] =	vst v63  }
0xf: {  	_ = 	snop  }
0x10: {  	[tilespmem:s10], [sflag:$0x1] =	stream.linear.gather [hbm4b:s5+s2], $0x1010, $0x38;
	[tilespmem:$0x1E200] =	vst v63  }
0x11: {  	_ =	swait.ge [sflag:s11], $0x1010  }
0x12: {  	[sflag:s11] =	ssyncset.done $0x0  }
0x13: {  	[sflag:s11] =	ssyncadd.s32 $0xFFFFEFF0  }
0x14: {  	_ =	swait.ge [sflag:s11], $0x1010  }
0x15: {  	[sflag:s11] =	ssyncset.done $0x0  }
0x16: {  	[sflag:s11] =	ssyncadd.s32 $0xFFFFEFF0  }
0x17: {  	_ =	swait.ge [sflag:s11], $0x1A000  }
0x18: {  	[sflag:s11] =	ssyncset.done $0x0  }
0x19: {  	s16 =	simm.s32 $0x0;
	[sflag:s11] =	ssyncadd.s32 $0xFFFE6000  }
0x1a: {  	v0 =	vld [tilespmem:s16+$0x1A000];
	_ =	sdelay $0x7  }
0x1b: {  	v0 =	vld.idx.msk [tilespmem:v0+s2+$0x0], $0xffff  }
0x1c: {  	v1 =	vld [tilespmem:s16+$0x1B080];
	_ =	sdelay $0x3  }
0x1d: {  	v0 =	vshll.u32 v0, $0x10  }
0x1e: {  	v0 =	vmul.f32 $1.428571410e+01, v0;
	_ =	sdelay $0x1  }
0x1f: {  	[tilespmem:s16+$0x1C100] =	vst v0  }
0x20: {  	s18 =	simm.s32 $0x10;
	s17 =	simm.s32 $0x80;
	v0 =	vld.idx.msk [tilespmem:v1+s2+$0x0], $0xffff  }
.LBB2_2:
0x21: {  	p0 =	sne.s32 s17, $0x4000;
	v1 =	vld [tilespmem:s18+$0x1A000];
	_ =	sdelay $0x3  }
0x22: {  	v0 =	vand.u32 $0xFFFF0000, v0  }
0x23: {  	v0 =	vmul.f32 $1.428571410e+01, v0;
	_ =	sdelay $0x1  }
0x24: {  	[tilespmem:s16+$0x1D180] =	vst v0;
	s16 =	smov.u32 s18  }
0x25: {  	v0 =	vld.idx.msk [tilespmem:v1+s2+$0x0], $0xffff;
	_ =	sdelay $0x1  }
0x26: {  	v1 =	vld [tilespmem:s16+$0x1B080];
	_ =	sdelay $0x3  }
0x27: {  	v0 =	vshll.u32 v0, $0x10  }
.Ltmp0:
0x28: {  	v0 =	vmul.f32 $1.428571410e+01, v0;
	(pc) =	sbr.rel @p0 .LBB2_2-.Ltmp0, $4  }
0x29: {  	_ = 	snop  }
0x2a: {  	[tilespmem:s16+$0x1C100] =	vst v0  }
0x2b: {  	v0 =	vld.idx.msk [tilespmem:v1+s2+$0x0], $0xffff  }
0x2c: {  	s18 =	sshra.s32 s17, $0x2;
	s17 =	sadd.s32 $0x40, s17  }
0x2d: {  	v1 =	vld [tilespmem:s18+$0x1A000];
	_ =	sdelay $0x3  }
0x2e: {  	v0 =	vand.u32 $0xFFFF0000, v0  }
0x2f: {  	v0 =	vmul.f32 $1.428571410e+01, v0;
	_ =	sdelay $0x1  }
0x30: {  	[tilespmem:s16+$0x1D180] =	vst v0  }
0x31: {  	v0 =	vld.idx.msk [tilespmem:v1+s2+$0x0], $0xffff  }
0x32: {  	v63 =	vld [tilespmem:s18+$0x1B080];
	_ =	sdelay $0x3  }
0x33: {  	v0 =	vshll.u32 v0, $0x10  }
0x34: {  	v0 =	vmul.f32 $1.428571410e+01, v0;
	_ =	sdelay $0x1  }
0x35: {  	[tilespmem:s18+$0x1C100] =	vst v0  }
0x36: {  	v0 =	vld.idx.msk [tilespmem:v63+s2+$0x0], $0xffff;
	_ =	sdelay $0x4  }
0x37: {  	v0 =	vand.u32 $0xFFFF0000, v0  }
0x38: {  	v0 =	vmul.f32 $1.428571410e+01, v0;
	_ =	sdelay $0x1  }
0x39: {  	[tilespmem:s18+$0x1D180] =	vst v0  }
0x3a: {  	[hbm4b:s6+s2] =	stream.linear.scatter [tilespmem:s12], [sflag:$0x2], $0x1010, $0x38;
	[tilespmem:$0x1E200] =	vst v63  }
0x3b: {  	s15 =	sadd.s32 $0x1, s15;
	_ =	swait.ge [sflag:s13], $0x1010  }
0x3c: {  	p0 =	sne.s32 s15, s8;
	[sflag:s13] =	ssyncset.done $0x0  }
.Ltmp1:
0x3d: {  	[sflag:s13] =	ssyncadd.s32 $0xFFFFEFF0;
	(pc) =	sbr.rel @p0 .LBB2_1-.Ltmp1, $4  }
0x3e: {  	[hbm4b:s7+s2] =	stream.linear.scatter [tilespmem:s14], [sflag:$0x2], $0x1010, $0x38;
	[tilespmem:$0x1E200] =	vst v63  }
0x3f: {  	_ =	swait.ge [sflag:s13], $0x1010  }
0x40: {  	[sflag:s13] =	ssyncset.done $0x0  }
0x41: {  	[sflag:s13] =	ssyncadd.s32 $0xFFFFEFF0  }
0x42: {  	_ =	sfence.sel $0x180000  }
0x43: {  	[bflag:$0x0] =	sbarrier.arrive $0xFFFF  }
0x44: {  	p0 =	sne.s32 s0, $0x0;
	_ =	strace $0x9000004D  }
0x45: {  	s0 =	sadd.s32 @!p0 $0x100000, s1;
	[bflag:$0x2] =	sbarrier.arrive $0xFFFF  }
0x46: {  	[sflag:s0] =	ssyncadd.tile.s32 @!p0 $0x1;
	_ =	shalt  }
.Lfunc_end2:
_tile_overlayer_lowered:
.L_overlay_start_2:
0x47: {  	(tag) =	ssettag $0x2  }
0x48: {  	s0 =	rddreg [dreg:$0x0];
	s2 =	stileid.u32  }
0x49: {  	s1 =	rddreg [dreg:$0x1];
	p0 =	sne.s32 s2, $0x0  }
0x4a: {  	s3 =	rddreg [dreg:$0x2];
	[bflag:$0x3] =	sbarrier.arrive $0xFFFF;
	s2 =	simm.s32 @!p0 $0x1C02  }
0x4b: {  	[timem:s3], [sflag:s2] =	dma.local @!p0 [hbm:s0], s1  }
0x4c: {  	s0 =	simm.s32 @!p0 $0x2  }
0x4d: {  	_ =	swait.ge @!p0 [sflag:s0], s1  }
0x4e: {  	s1 =	ssub.s32 @!p0 $0x0, s1;
	[sflag:s0] =	ssyncset.done @!p0 $0x0  }
0x4f: {  	[sflag:s0] =	ssyncadd.s32 @!p0 s1  }
0x50: {  	[bflag:$0x3] =	sbarrier.arrive $0xFFFF  }
0x51: {  	_ =	shalt  }

// kernel: kernel.8.cloned.1.call-start
scs
__scs_entry_jumppad:
0x0: {  	(pc) =	sbr.rel $0x88, $3  }
0x1: {  	(tag) =	ssettag $0x0;
	lr =	simm.s32 $0x1  }
0x2: {  	[smem:$0x3F9A] =	sst lr;
	_ =	strace $0xD0000000  }
0x3: {  	_ = 	snop  }
0x4: {  	_ = 	snop  }
0x5: {  	_ = 	snop  }
0x6: {  	_ = 	snop  }
0x7: {  	_ = 	snop  }
__scs_overlays_trampoline_lowered:
0x8: {  	[smem:$0x3FA9] =	sst s0  }
0x9: {  	[smem:$0x3FAA] =	sst s1  }
0xa: {  	[smem:$0x3FAB] =	sst s2  }
0xb: {  	[smem:$0x3FAC] =	sst s3  }
0xc: {  	[smem:$0x3FAD] =	sst s4  }
0xd: {  	[smem:$0x3FAE] =	sst s5  }
0xe: {  	[smem:$0x3FAF] =	sst s6  }
0xf: {  	[smem:$0x3FB0] =	sst s7  }
0x10: {  	[smem:$0x3FB1] =	sst s8  }
0x11: {  	[smem:$0x3FB2] =	sst s9;
	s0 =	simm.s32 @!p0 $0x0  }
0x12: {  	s1 =	sld [smem:$0x3F98];
	s0 =	simm.s32 @p0 $0x1  }
0x13: {  	[smem:$0x3FB3] =	sst s0;
	s0 =	simm.s32 @!p1 $0x0  }
0x14: {  	s2 =	sld [smem:$0x3F97];
	s0 =	simm.s32 @p1 $0x1  }
0x15: {  	[smem:$0x3FB4] =	sst s0;
	s0 =	simm.s32 @!p2 $0x0  }
0x16: {  	s3 =	sld [smem:$0x3FDB];
	s0 =	simm.s32 @p2 $0x1  }
0x17: {  	s4 =	simm.s32 $0x1BF5;
	[smem:$0x3FB6] =	sst s0  }
0x18: {  	s0 =	sld [smem:$0x3F99];
	_ =	swait.ge [sflag:s4], $0x0  }
0x19: {  	s7 =	sld [smem:$0x3F9A]  }
0x1a: {  	s8 =	sadd.s32 $0xFFFFE003, lr  }
0x1b: {  	s9 =	sadd.s32 $0xFFFFFEF7, lr;
	s5 =	simm.s32 $0xFFFFFFFF;
	p2 =	slt.u32 s8, $0xFFFFF086  }
0x1c: {  	p1 =	slt.u32 s9, $0xF7A;
	s5 =	simm.s32 @!p2 $0x0  }
0x1d: {  	s5 =	simm.s32 @p1 $0x1;
	p0 =	seq.s32 s7, s2  }
0x1e: {  	s7 =	smul.u32 @!p0 $0xF7A, s2;
	p2 =	seq.s32 @!p0 s5, $0x0  }
0x1f: {  	s9 =	smul.u32 $0xF7A, s1;
	s8 =	simm.s32 @!p0 $0x1BF5;
	p2 =	por !p2, p0  }
0x20: {  	[sflag:s8] =	ssyncset.s32 @!p0 $0xFFFFF086;
	s6 =	sadd.s32 @!p0 s3, s7;
	s7 =	simm.s32 @!p0 $0x108  }
0x21: {  	s3 =	sadd.s32 s3, s9;
	s6 =	sadd.s32 @!p0 $0x88, s6;
	s7 =	simm.s32 @p2 $0x1082  }
0x22: {  	[simem:s7], [sflag:s8] =	dma.local @!p0 [hbm:s6], $0xF7A  }
0x23: {  	s9 =	sor.u32 $0xD0000000, s2;
	s6 =	simm.s32 $0x108;
	_ =	swait.ge @!p0 [sflag:s8], $0x0  }
0x24: {  	s3 =	sadd.s32 $0x88, s3;
	s6 =	simm.s32 @!p1 $0x1082;
	[sflag:s4] =	ssyncset.s32 $0xFFFFF086  }
0x25: {  	[simem:s6], [sflag:s4] =	dma.local [hbm:s3], $0xF7A  }
0x26: {  	[smem:$0x3F9A] =	sst s1;
	(tag) =	ssettag s2;
	_ =	strace s9  }
0x27: {  	s1 =	sld [smem:$0x3FAA]  }
0x28: {  	s2 =	sld [smem:$0x3FAB]  }
0x29: {  	s4 =	sld [smem:$0x3FAD]  }
0x2a: {  	p0 =	seq.s32 s5, $0x0;
	s5 =	sld [smem:$0x3FAE]  }
0x2b: {  	s6 =	sld [smem:$0x3FAF]  }
0x2c: {  	s7 =	sld [smem:$0x3FB0]  }
0x2d: {  	s3 =	simm.s32 $0x108;
	s8 =	sld [smem:$0x3FB1]  }
0x2e: {  	s3 =	simm.s32 @!p0 $0x1082;
	s9 =	sld [smem:$0x3FB2]  }
0x2f: {  	lr =	sadd.s32 s0, s3;
	s0 =	sld [smem:$0x3FA9]  }
0x30: {  	s3 =	sld [smem:$0x3FAC]  }
0x31: {  	[smem:$0x3FB5] =	sst s10  }
0x32: {  	s10 =	sld [smem:$0x3FB3];
	_ =	sdelay $0x3  }
0x33: {  	p0 =	seq.s32 s10, $0x1;
	s10 =	sld [smem:$0x3FB5];
	_ =	sdelay $0x3  }
0x34: {  	[smem:$0x3FB5] =	sst s10  }
0x35: {  	s10 =	sld [smem:$0x3FB4];
	_ =	sdelay $0x3  }
0x36: {  	p1 =	seq.s32 s10, $0x1;
	s10 =	sld [smem:$0x3FB5];
	_ =	sdelay $0x3  }
0x37: {  	[smem:$0x3FB5] =	sst s10  }
0x38: {  	s10 =	sld [smem:$0x3FB6]  }
0x39: {  	_ = 	snop;
	(pc) =	sbr.ind lr, $3  }
0x3a: {  	_ = 	snop  }
0x3b: {  	_ = 	snop  }
0x3c: {  	p2 =	seq.s32 s10, $0x1;
	s10 =	sld [smem:$0x3FB5]  }
0x3d: {  	_ =	shalt  }
0x3e: {  	_ =	shalt  }
0x3f: {  	_ =	shalt  }
0x40: {  	_ =	shalt  }
0x41: {  	_ =	shalt  }
0x42: {  	_ =	shalt  }
0x43: {  	_ =	shalt  }
0x44: {  	_ =	shalt  }
0x45: {  	_ =	shalt  }
0x46: {  	_ =	shalt  }
0x47: {  	_ =	shalt  }
0x48: {  	_ =	shalt  }
0x49: {  	_ =	shalt  }
0x4a: {  	_ =	shalt  }
0x4b: {  	_ =	shalt  }
0x4c: {  	_ =	shalt  }
0x4d: {  	_ =	shalt  }
0x4e: {  	_ =	shalt  }
0x4f: {  	_ =	shalt  }
0x50: {  	_ =	shalt  }
0x51: {  	_ =	shalt  }
0x52: {  	_ =	shalt  }
0x53: {  	_ =	shalt  }
0x54: {  	_ =	shalt  }
0x55: {  	_ =	shalt  }
0x56: {  	_ =	shalt  }
0x57: {  	_ =	shalt  }
0x58: {  	_ =	shalt  }
0x59: {  	_ =	shalt  }
0x5a: {  	_ =	shalt  }
0x5b: {  	_ =	shalt  }
0x5c: {  	_ =	shalt  }
0x5d: {  	_ =	shalt  }
0x5e: {  	_ =	shalt  }
0x5f: {  	_ =	shalt  }
0x60: {  	_ =	shalt  }
0x61: {  	_ =	shalt  }
0x62: {  	_ =	shalt  }
0x63: {  	_ =	shalt  }
0x64: {  	_ =	shalt  }
0x65: {  	_ =	shalt  }
0x66: {  	_ =	shalt  }
0x67: {  	_ =	shalt  }
0x68: {  	_ =	shalt  }
0x69: {  	_ =	shalt  }
0x6a: {  	_ =	shalt  }
0x6b: {  	_ =	shalt  }
0x6c: {  	_ =	shalt  }
0x6d: {  	_ =	shalt  }
0x6e: {  	_ =	shalt  }
0x6f: {  	_ =	shalt  }
0x70: {  	_ =	shalt  }
0x71: {  	_ =	shalt  }
0x72: {  	_ =	shalt  }
0x73: {  	_ =	shalt  }
0x74: {  	_ =	shalt  }
0x75: {  	_ =	shalt  }
0x76: {  	_ =	shalt  }
0x77: {  	_ =	shalt  }
0x78: {  	_ =	shalt  }
0x79: {  	_ =	shalt  }
0x7a: {  	_ =	shalt  }
0x7b: {  	_ =	shalt  }
0x7c: {  	_ =	shalt  }
0x7d: {  	_ =	shalt  }
0x7e: {  	_ =	shalt  }
0x7f: {  	_ =	shalt  }
0x80: {  	_ =	shalt  }
0x81: {  	_ =	shalt  }
0x82: {  	_ =	shalt  }
0x83: {  	_ =	shalt  }
0x84: {  	_ =	shalt  }
0x85: {  	_ =	shalt  }
0x86: {  	_ =	shalt  }
0x87: {  	_ =	shalt  }
.Lfunc_end0:
.L_simem_size_0:
called_computation_lowered:
.L_overlay_start_0:
0x88: {  	s2 =	sld [smem:$0x3FD9]  }
0x89: {  	s3 =	sld [smem:$0x3FFE];
	_ =	sdelay $0x1  }
0x8a: {  	s1 =	srdreg.scid  }
0x8b: {  	s0 =	sand.u32 $0x1, s1  }
0x8c: {  	s14 =	sshll.u32 s0, $0xA;
	s2 =	sadd.s32 s3, s2  }
0x8d: {  	s2 =	sadd.s32 s2, s14  }
0x8e: {  	[smem:$0x3FC1] =	sst s2  }
0x8f: {  	_ = 	snop  }
0x90: {  	s2 =	sld [smem:$0x3FD0];
	_ =	sdelay $0x2  }
0x91: {  	s15 =	simm.s32 $0xC;
	s4 =	simm.s32 $0x10  }
0x92: {  	[smem:s4], [sflag:s15] =	dma.local [hbm:s2], $0x1  }
0x93: {  	_ =	swait.eq [sflag:s15], $0x1  }
0x94: {  	[sflag:s15] =	ssyncset.done $0x0  }
0x95: {  	[sflag:s15] =	ssyncadd.s32 $0xFFFFFFFF  }
0x96: {  	s16 =	sld [smem:$0x13];
	(tm) =	ssettm $0x1  }
0x97: {  	s17 =	sld [smem:$0x3FFB];
	_ =	sdelay $0x3  }
0x98: {  	_ =	strace s17  }
0x99: {  	s3 =	sld [smem:$0x3FFC];
	_ =	sdelay $0x3  }
0x9a: {  	_ =	strace s3  }
0x9b: {  	s3 =	sld [smem:$0x3FFD];
	_ =	sdelay $0x3  }
0x9c: {  	_ =	strace s3  }
0x9d: {  	_ =	strace $0x8FFFFFFF  }
0x9e: {  	s18 =	sld [smem:$0x3FDB];
	_ =	sdelay $0x1  }
0x9f: {  	s19 =	simm.s32 $_scs_section_size  }
0xa0: {  	s5 =	simm.s32 $_size__tile_overlayer_lowered;
	s6 =	simm.s32 $_tile_overlayer_lowered  }
0xa1: {  	s22 =	simm.s32 $0x1BFF;
	s21 =	sshll.u32 s6, $0x1;
	s3 =	sadd.s32 s19, s18  }
0xa2: {  	s7 =	simm.s32 $0x0;
	s20 =	sshll.u32 s5, $0x1;
	s5 =	sadd.s32 s21, s3  }
0xa3: {  	[timem:s7], [sflag:s22] =	dma.local [hbm:s5], s20  }
0xa4: {  	_ =	swait.ge [sflag:s22], s20  }
0xa5: {  	s4 =	ssub.s32 $0x0, s20;
	[sflag:s22] =	ssyncset.done $0x0  }
0xa6: {  	[sflag:s22] =	ssyncadd.s32 s4;
	_ =	sdelay $0x1  }
0xa7: {  	s23 =	simm.s32 $0x1B8B  }
0xa8: {  	_ =	swait.ge [sflag:s23], $0x1  }
0xa9: {  	[sflag:s23] =	ssyncset.done $0x0  }
0xaa: {  	s25 =	simm.s32 $0x1B8E;
	s24 =	sld [smem:$0x3FFE];
	[sflag:s23] =	ssyncadd.s32 $0xFFFFFFFF  }
0xab: {  	s26 =	simm.s32 $execute0_lowered;
	[smem:$0x3FD2] =	sst s25  }
0xac: {  	s5 =	sshll.u32 s26, $0x1;
	_ =	strace $0x80000046;
	[dreg:$0x1] =	wrdreg $0xFFFFFFFF  }
0xad: {  	s28 =	simm.s32 $_size_execute0_lowered;
	s3 =	sadd.s32 s3, s5;
	[dreg:$0x0] =	wrdreg $0x0  }
0xae: {  	s5 =	sshll.u32 s28, $0x1;
	[dreg:$0x2] =	wrdreg s3  }
0xaf: {  	[dreg:$0x3] =	wrdreg s5  }
0xb0: {  	[dreg:$0x4] =	wrdreg $0xC0  }
0xb1: {  	_ =	task [dreg:s7], $0x5FFFF  }
0xb2: {  	[dreg:$0x1] =	wrdreg $0xFFFFFFFF  }
0xb3: {  	[dreg:$0x0] =	wrdreg $0x60  }
0xb4: {  	[dreg:$0x2] =	wrdreg s24  }
0xb5: {  	[dreg:$0x3] =	wrdreg s16  }
0xb6: {  	[dreg:$0x4] =	wrdreg $0x9  }
0xb7: {  	_ =	task.clear_ibuf [dreg:s7], $0x5FFFF;
	_ =	strace $0x90000046  }
0xb8: {  	s29 =	simm.s32 $0x9;
	_ =	strace $0x80000048  }
0xb9: {  	_ =	swait.ge [sflag:s29], $0x1  }
0xba: {  	[sflag:s29] =	ssyncadd.s32 $0xFFFFFFFF  }
0xbb: {  	_ =	strace $0x90000048  }
0xbc: {  	_ =	sfence  }
0xbd: {  	s30 =	sld [smem:$0x0];
	_ =	sdelay $0x2  }
0xbe: {  	s31 =	sshll.u32 s1, $0xD;
	s1 =	sshrl.u32 s1, $0x2  }
0xbf: {  	s3 =	sand.u32 $0x4000, s31;
	s1 =	sadd.s32 s1, s30  }
0xc0: {  	s0 =	sor.u32 s3, s0;
	s1 =	sshll.u32 s1, $0x11  }
0xc1: {  	s0 =	sor.u32 s1, s0  }
0xc2: {  	s0 =	sadd.s32 $0x8F2B, s0  }
0xc3: {  	[sflag:s0] =	ssyncadd.remote.s32 $0x1  }
0xc4: {  	_ =	sfence.sel $0xFFFF  }
0xc5: {  	[dreg:$0x0] =	wrdreg $0xFFFFFFFF;
	(pc) =	sbr.abs _section_cstart, $3  }
0xc6: {  	[dreg:$0x1] =	wrdreg $0xFFFFFFFF  }
0xc7: {  	_ =	task.clear_ibuf [dreg:s7], $0x2FFFF;
	_ =	strace $0x9FFFFFFF  }
0xc8: {  	(tm) =	ssettm $0x7FFFFFFF  }
0xc9: {  	_ =	shalt  }
tec
execute0_lowered:
.L_overlay_start_1:
0x0: {  	(tag) =	ssettag $0x1  }
0x1: {  	s1 =	srdreg.scid  }
0x2: {  	s3 =	rddreg [dreg:$0x0];
	s0 =	stileid.u32  }
0x3: {  	s12 =	rddreg [dreg:$0x1];
	s2 =	simm.s32 $0x0;
	s4 =	sand.u32 $0x1, s1  }
0x4: {  	s5 =	sshll.u32 s0, $0x2;
	s1 =	rddreg [dreg:$0x2];
	s6 =	sshll.u32 s4, $0x1  }
0x5: {  	s20 =	simm.s32 $0x0;
	[smem:$0x7FF] =	sst s2;
	s5 =	sor.u32 s6, s5  }
0x6: {  	s13 =	sadd.s32 $0x1600, s3;
	s15 =	sadd.s32 $0xD1600, s3;
	s10 =	smul.u32 $0x3400, s5  }
0x7: {  	_ =	strace $0x80000047;
	s6 =	sor.u32 $0x1, s5;
	s26 =	smul.u32 $0x404, s5  }
0x8: {  	s4 =	ssub.s32 $0x2, s4;
	s9 =	sshllo.u32 s5, $0x1;
	s7 =	smul.u32 $0x404, s6  }
0x9: {  	s8 =	sshll.u32 s5, $0x1;
	s11 =	sand.u32 $0x3D, s9;
	s9 =	smul.u32 $0x202, s9  }
0xa: {  	s14 =	sshrl.u32 s4, $0x1;
	s8 =	sand.u32 $0x3C, s8;
	s17 =	smul.u32 $0x3400, s6  }
0xb: {  	s25 =	ssub.s32 s4, s14;
	s14 =	simm.s32 $0x1A000;
	s8 =	smul.u32 $0x202, s8  }
0xc: {  	s28 =	sshll.u32 s6, $0x1;
	s16 =	sshllo.u32 s6, $0x1;
	s11 =	smul.u32 $0x202, s11  }
0xd: {  	s3 =	smax.u32 s25, $0x1;
	s29 =	sand.u32 $0x3E, s28;
	s31 =	smul.u32 $0x202, s16  }
0xe: {  	s30 =	sand.u32 $0x3F, s16;
	s5 =	sadd.s32 s13, s10;
	s18 =	smul.u32 $0x202, s29  }
0xf: {  	s16 =	simm.s32 $0x1;
	s4 =	sadd.s32 s15, s7;
	s19 =	smul.u32 $0x202, s30  }
0x10: {  	s9 =	sadd.s32 s15, s9;
	s10 =	sadd.s32 s13, s17;
	s17 =	simm.s32 $0x1C100  }
0x11: {  	s6 =	sadd.s32 s12, s8;
	s7 =	sadd.s32 s12, s11;
	s8 =	sadd.s32 s15, s26  }
0x12: {  	s13 =	sadd.s32 s15, s31;
	s15 =	simm.s32 $0x1B080;
	s11 =	sadd.s32 s12, s18  }
0x13: {  	s12 =	sadd.s32 s12, s19;
	s18 =	simm.s32 $0x2;
	s19 =	simm.s32 $0x1D180  }
.LBB2_1:
0x14: {  	[tilespmem:s2], [sflag:$0x1] =	stream.linear.gather [hbm4b:s5+s2], $0x1A000, $0x38;
	[tilespmem:$0x1E200] =	vst v63  }
0x15: {  	_ = 	snop  }
0x16: {  	[tilespmem:s14], [sflag:$0x1] =	stream.linear.gather [hbm4b:s6+s2], $0x1010, $0x38;
	[tilespmem:$0x1E200] =	vst v63  }
0x17: {  	_ = 	snop  }
0x18: {  	[tilespmem:s15], [sflag:$0x1] =	stream.linear.gather [hbm4b:s7+s2], $0x1010, $0x38;
	[tilespmem:$0x1E200] =	vst v63  }
0x19: {  	_ =	swait.ge [sflag:s16], $0x1010  }
0x1a: {  	[sflag:s16] =	ssyncset.done $0x0  }
0x1b: {  	[sflag:s16] =	ssyncadd.s32 $0xFFFFEFF0  }
0x1c: {  	_ =	swait.ge [sflag:s16], $0x1010  }
0x1d: {  	[sflag:s16] =	ssyncset.done $0x0  }
0x1e: {  	[sflag:s16] =	ssyncadd.s32 $0xFFFFEFF0  }
0x1f: {  	_ =	swait.ge [sflag:s16], $0x1A000  }
0x20: {  	[sflag:s16] =	ssyncset.done $0x0  }
0x21: {  	s21 =	simm.s32 $0x0;
	[sflag:s16] =	ssyncadd.s32 $0xFFFE6000  }
0x22: {  	v0 =	vld [tilespmem:s21+$0x1A000];
	_ =	sdelay $0x7  }
0x23: {  	v0 =	vld.idx.msk [tilespmem:v0+s2+$0x0], $0xffff  }
0x24: {  	v1 =	vld [tilespmem:s21+$0x1B080];
	_ =	sdelay $0x3  }
0x25: {  	v0 =	vshll.u32 v0, $0x10  }
0x26: {  	v0 =	vmul.f32 $1.428571410e+01, v0;
	_ =	sdelay $0x1  }
0x27: {  	[tilespmem:s21+$0x1C100] =	vst v0  }
0x28: {  	s23 =	simm.s32 $0x10;
	s22 =	simm.s32 $0x80;
	v0 =	vld.idx.msk [tilespmem:v1+s2+$0x0], $0xffff  }
.LBB2_2:
0x29: {  	p0 =	sne.s32 s22, $0x4000;
	v1 =	vld [tilespmem:s23+$0x1A000];
	_ =	sdelay $0x3  }
0x2a: {  	v0 =	vand.u32 $0xFFFF0000, v0  }
0x2b: {  	v0 =	vmul.f32 $1.428571410e+01, v0;
	_ =	sdelay $0x1  }
0x2c: {  	[tilespmem:s21+$0x1D180] =	vst v0;
	s21 =	smov.u32 s23  }
0x2d: {  	v0 =	vld.idx.msk [tilespmem:v1+s2+$0x0], $0xffff;
	_ =	sdelay $0x1  }
0x2e: {  	v1 =	vld [tilespmem:s21+$0x1B080];
	_ =	sdelay $0x3  }
0x2f: {  	v0 =	vshll.u32 v0, $0x10  }
.Ltmp0:
0x30: {  	v0 =	vmul.f32 $1.428571410e+01, v0;
	(pc) =	sbr.rel @p0 .LBB2_2-.Ltmp0, $4  }
0x31: {  	_ = 	snop  }
0x32: {  	[tilespmem:s21+$0x1C100] =	vst v0  }
0x33: {  	v0 =	vld.idx.msk [tilespmem:v1+s2+$0x0], $0xffff  }
0x34: {  	s23 =	sshra.s32 s22, $0x2;
	s22 =	sadd.s32 $0x40, s22  }
0x35: {  	v1 =	vld [tilespmem:s23+$0x1A000];
	_ =	sdelay $0x3  }
0x36: {  	v0 =	vand.u32 $0xFFFF0000, v0  }
0x37: {  	v0 =	vmul.f32 $1.428571410e+01, v0;
	_ =	sdelay $0x1  }
0x38: {  	[tilespmem:s21+$0x1D180] =	vst v0  }
0x39: {  	v0 =	vld.idx.msk [tilespmem:v1+s2+$0x0], $0xffff  }
0x3a: {  	v1 =	vld [tilespmem:s23+$0x1B080];
	_ =	sdelay $0x3  }
0x3b: {  	v0 =	vshll.u32 v0, $0x10  }
0x3c: {  	v0 =	vmul.f32 $1.428571410e+01, v0;
	_ =	sdelay $0x1  }
0x3d: {  	[tilespmem:s23+$0x1C100] =	vst v0  }
0x3e: {  	v0 =	vld.idx.msk [tilespmem:v1+s2+$0x0], $0xffff;
	_ =	sdelay $0x4  }
0x3f: {  	v0 =	vand.u32 $0xFFFF0000, v0  }
0x40: {  	v0 =	vmul.f32 $1.428571410e+01, v0;
	_ =	sdelay $0x1  }
0x41: {  	s31 =	simm.s32 $0x0;
	[tilespmem:s23+$0x1D180] =	vst v0  }
0x42: {  	[hbm4b:s8+s31] =	stream.linear.scatter [tilespmem:s17], [sflag:$0x2], $0x1010, $0x38;
	[tilespmem:$0x1E200] =	vst v63  }
0x43: {  	_ =	swait.ge [sflag:s18], $0x1010  }
0x44: {  	[sflag:s18] =	ssyncset.done $0x0  }
0x45: {  	[sflag:s18] =	ssyncadd.s32 $0xFFFFEFF0  }
0x46: {  	[hbm4b:s9+s31] =	stream.linear.scatter [tilespmem:s19], [sflag:$0x2], $0x1010, $0x38;
	[tilespmem:$0x1E200] =	vst v63  }
0x47: {  	_ =	swait.ge [sflag:s18], $0x1010  }
0x48: {  	[sflag:s18] =	ssyncset.done $0x0  }
0x49: {  	[sflag:s18] =	ssyncadd.s32 $0xFFFFEFF0  }
0x4a: {  	[tilespmem:s31], [sflag:$0x1] =	stream.linear.gather [hbm4b:s10+s31], $0x1A000, $0x38;
	[tilespmem:$0x1E200] =	vst v63  }
0x4b: {  	_ = 	snop  }
0x4c: {  	[tilespmem:s14], [sflag:$0x1] =	stream.linear.gather [hbm4b:s11+s31], $0x1010, $0x38;
	[tilespmem:$0x1E200] =	vst v63  }
0x4d: {  	_ = 	snop  }
0x4e: {  	[tilespmem:s15], [sflag:$0x1] =	stream.linear.gather [hbm4b:s12+s31], $0x1010, $0x38;
	[tilespmem:$0x1E200] =	vst v63  }
0x4f: {  	_ =	swait.ge [sflag:s16], $0x1010  }
0x50: {  	[sflag:s16] =	ssyncset.done $0x0  }
0x51: {  	[sflag:s16] =	ssyncadd.s32 $0xFFFFEFF0  }
0x52: {  	_ =	swait.ge [sflag:s16], $0x1010  }
0x53: {  	[sflag:s16] =	ssyncset.done $0x0  }
0x54: {  	[sflag:s16] =	ssyncadd.s32 $0xFFFFEFF0  }
0x55: {  	_ =	swait.ge [sflag:s16], $0x1A000  }
0x56: {  	[sflag:s16] =	ssyncset.done $0x0  }
0x57: {  	s21 =	simm.s32 $0x0;
	[sflag:s16] =	ssyncadd.s32 $0xFFFE6000  }
0x58: {  	v0 =	vld [tilespmem:s21+$0x1A000];
	_ =	sdelay $0x7  }
0x59: {  	v0 =	vld.idx.msk [tilespmem:v0+s2+$0x0], $0xffff  }
0x5a: {  	v1 =	vld [tilespmem:s21+$0x1B080];
	_ =	sdelay $0x3  }
0x5b: {  	v0 =	vshll.u32 v0, $0x10  }
0x5c: {  	v0 =	vmul.f32 $1.428571410e+01, v0;
	_ =	sdelay $0x1  }
0x5d: {  	[tilespmem:s21+$0x1C100] =	vst v0  }
0x5e: {  	s22 =	simm.s32 $0x80;
	s23 =	simm.s32 $0x10;
	v0 =	vld.idx.msk [tilespmem:v1+s2+$0x0], $0xffff  }
.LBB2_4:
0x5f: {  	p0 =	sne.s32 s22, $0x4000;
	v1 =	vld [tilespmem:s23+$0x1A000];
	_ =	sdelay $0x3  }
0x60: {  	v0 =	vand.u32 $0xFFFF0000, v0  }
0x61: {  	v0 =	vmul.f32 $1.428571410e+01, v0;
	_ =	sdelay $0x1  }
0x62: {  	[tilespmem:s21+$0x1D180] =	vst v0;
	s21 =	smov.u32 s23  }
0x63: {  	v0 =	vld.idx.msk [tilespmem:v1+s2+$0x0], $0xffff;
	_ =	sdelay $0x1  }
0x64: {  	v1 =	vld [tilespmem:s21+$0x1B080];
	_ =	sdelay $0x3  }
0x65: {  	v0 =	vshll.u32 v0, $0x10  }
.Ltmp1:
0x66: {  	v0 =	vmul.f32 $1.428571410e+01, v0;
	(pc) =	sbr.rel @p0 .LBB2_4-.Ltmp1, $4  }
0x67: {  	_ = 	snop  }
0x68: {  	[tilespmem:s21+$0x1C100] =	vst v0  }
0x69: {  	v0 =	vld.idx.msk [tilespmem:v1+s2+$0x0], $0xffff  }
0x6a: {  	s23 =	sshra.s32 s22, $0x2;
	s22 =	sadd.s32 $0x40, s22  }
0x6b: {  	v1 =	vld [tilespmem:s23+$0x1A000];
	_ =	sdelay $0x3  }
0x6c: {  	v0 =	vand.u32 $0xFFFF0000, v0  }
0x6d: {  	v0 =	vmul.f32 $1.428571410e+01, v0;
	_ =	sdelay $0x1  }
0x6e: {  	[tilespmem:s21+$0x1D180] =	vst v0  }
0x6f: {  	v0 =	vld.idx.msk [tilespmem:v1+s2+$0x0], $0xffff  }
0x70: {  	v63 =	vld [tilespmem:s23+$0x1B080];
	_ =	sdelay $0x3  }
0x71: {  	v0 =	vshll.u32 v0, $0x10  }
0x72: {  	v0 =	vmul.f32 $1.428571410e+01, v0;
	_ =	sdelay $0x1  }
0x73: {  	[tilespmem:s23+$0x1C100] =	vst v0  }
0x74: {  	v0 =	vld.idx.msk [tilespmem:v63+s2+$0x0], $0xffff;
	_ =	sdelay $0x4  }
0x75: {  	v0 =	vand.u32 $0xFFFF0000, v0  }
0x76: {  	v0 =	vmul.f32 $1.428571410e+01, v0;
	_ =	sdelay $0x1  }
0x77: {  	[tilespmem:s23+$0x1D180] =	vst v0  }
0x78: {  	[hbm4b:s4+s2] =	stream.linear.scatter [tilespmem:s17], [sflag:$0x2], $0x1010, $0x38;
	[tilespmem:$0x1E200] =	vst v63  }
0x79: {  	s20 =	sadd.s32 $0x1, s20;
	_ =	swait.ge [sflag:s18], $0x1010  }
0x7a: {  	p0 =	sne.s32 s20, s3;
	[sflag:s18] =	ssyncset.done $0x0  }
.Ltmp2:
0x7b: {  	[sflag:s18] =	ssyncadd.s32 $0xFFFFEFF0;
	(pc) =	sbr.rel @p0 .LBB2_1-.Ltmp2, $4  }
0x7c: {  	[hbm4b:s13+s2] =	stream.linear.scatter [tilespmem:s19], [sflag:$0x2], $0x1010, $0x38;
	[tilespmem:$0x1E200] =	vst v63  }
0x7d: {  	_ =	swait.ge [sflag:s18], $0x1010  }
0x7e: {  	[sflag:s18] =	ssyncset.done $0x0  }
0x7f: {  	[sflag:s18] =	ssyncadd.s32 $0xFFFFEFF0  }
0x80: {  	_ =	sfence.sel $0x180000  }
0x81: {  	[bflag:$0x0] =	sbarrier.arrive $0xFFFF  }
0x82: {  	p0 =	sne.s32 s0, $0x0;
	_ =	strace $0x90000047  }
0x83: {  	s0 =	sadd.s32 @!p0 $0x100000, s1;
	[bflag:$0x2] =	sbarrier.arrive $0xFFFF  }
0x84: {  	[sflag:s0] =	ssyncadd.tile.s32 @!p0 $0x1;
	_ =	shalt  }
.Lfunc_end2:
_tile_overlayer_lowered:
.L_overlay_start_2:
0x85: {  	(tag) =	ssettag $0x2  }
0x86: {  	s0 =	rddreg [dreg:$0x0];
	s2 =	stileid.u32  }
0x87: {  	s1 =	rddreg [dreg:$0x1];
	p0 =	sne.s32 s2, $0x0  }
0x88: {  	s3 =	rddreg [dreg:$0x2];
	[bflag:$0x3] =	sbarrier.arrive $0xFFFF;
	s2 =	simm.s32 @!p0 $0x1C02  }
0x89: {  	[timem:s3], [sflag:s2] =	dma.local @!p0 [hbm:s0], s1  }
0x8a: {  	s0 =	simm.s32 @!p0 $0x2  }
0x8b: {  	_ =	swait.ge @!p0 [sflag:s0], s1  }
0x8c: {  	s1 =	ssub.s32 @!p0 $0x0, s1;
	[sflag:s0] =	ssyncset.done @!p0 $0x0  }
0x8d: {  	[sflag:s0] =	ssyncadd.s32 @!p0 s1  }
0x8e: {  	[bflag:$0x3] =	sbarrier.arrive $0xFFFF  }
0x8f: {  	_ =	shalt  }

</sc_bundles>
